<compile_context>
chip_gen: v7x
topology: tpu7x:2x2x1
jax: 0.10.2.dev20260603
libtpu: 0.0.44.dev20260713+nightly
codegen_flags: <defaults>
</compile_context>

<pallas_src>
import functools

import jax
import jax.numpy as jnp
from jax import lax
from jax.experimental import pallas as pl
from jax.experimental.pallas import tpu as pltpu
from jax.experimental.pallas import tpu_sc as plsc

N_NODES = 10000
D = 128
NC, NS = 2, 16
CH = 128
N_PAD = 10240
RPT = N_PAD // NS
G = 16
BLK = 1024



def _deg_body(dstp, out, ones_v, zb, didx, acc, sdm):
    core = lax.axis_index("c")
    sub = lax.axis_index("s")
    wid = core * NS + sub
    nch = dstp.shape[0]
    cpw = nch // (NC * NS)

    @pl.loop(0, CH)
    def _fill(i):
        ones_v[i, :] = jnp.ones((16,), jnp.float32)
        zb[i, :] = jnp.zeros((16,), jnp.float32)

    @pl.loop(0, RPT // CH)
    def _z(k):
        pltpu.sync_copy(zb, acc.at[pl.ds(sub * RPT + k * CH, CH)])

    pltpu.sync_copy(dstp.at[pl.ds(wid * cpw, cpw)], didx)
    plsc.subcore_barrier()

    @pl.loop(0, cpw)
    def _go(j):
        pltpu.sync_copy(ones_v, acc.at[didx.at[j, 0]], add=True)

    plsc.subcore_barrier()
    pltpu.sync_copy(acc.at[pl.ds(sub * RPT, RPT)],
                    out.at[core, pl.ds(sub * RPT, RPT)])


def _agg_body(xs, srcp2, dstp, out, sidx, didx, rows, acc):
    core = lax.axis_index("c")
    sub = lax.axis_index("s")
    nch = dstp.shape[0]
    cpt = nch // NS

    @pl.loop(0, CH)
    def _z0(i):
        @pl.loop(0, D // 16)
        def _z1(j):
            rows[i, pl.ds(j * 16, 16)] = jnp.zeros((16,), jnp.float32)

    @pl.loop(0, RPT // CH)
    def _z2(k):
        pltpu.sync_copy(rows, acc.at[pl.ds(sub * RPT + k * CH, CH)])

    plsc.subcore_barrier()

    @pl.loop(0, cpt)
    def _go(j):
        q = sub * cpt + j
        pltpu.sync_copy(srcp2.at[core, q], sidx.at[0])
        pltpu.sync_copy(dstp.at[q], didx.at[0])
        pltpu.sync_copy(xs.at[sidx.at[0]], rows)
        pltpu.sync_copy(rows, acc.at[didx.at[0]], add=True)

    plsc.subcore_barrier()

    @pl.loop(0, RPT // CH)
    def _wb(k):
        pltpu.sync_copy(acc.at[pl.ds(sub * RPT + k * CH, CH)],
                        out.at[pl.ds(core * N_PAD + sub * RPT + k * CH, CH)])


def _sc_deg(dstp):
    mesh = plsc.VectorSubcoreMesh(core_axis_name="c", subcore_axis_name="s")
    cpw = dstp.shape[0] // (NC * NS)
    return pl.kernel(
        _deg_body,
        out_type=jax.ShapeDtypeStruct((NC, N_PAD, 16), jnp.float32),
        mesh=mesh,
        scratch_types=[
            pltpu.VMEM((CH, 16), jnp.float32),
            pltpu.VMEM((CH, 16), jnp.float32),
            pltpu.VMEM((cpw, 1, CH), jnp.int32),
            pltpu.VMEM_SHARED((N_PAD, 16), jnp.float32),
            pltpu.SemaphoreType.DMA,
        ],
    )(dstp)


def _sc_agg(xs, srcp2, dstp):
    mesh = plsc.VectorSubcoreMesh(core_axis_name="c", subcore_axis_name="s")
    return pl.kernel(
        _agg_body,
        out_type=jax.ShapeDtypeStruct((NC * N_PAD, D), jnp.float32),
        mesh=mesh,
        scratch_types=[
            pltpu.VMEM((1, CH), jnp.int32),
            pltpu.VMEM((1, CH), jnp.int32),
            pltpu.VMEM((CH, D), jnp.float32),
            pltpu.VMEM_SHARED((N_PAD, D), jnp.float32),
        ],
    )(xs, srcp2, dstp)



def _tc1_body(degp_ref, x1_ref, x2_ref, dinv_ref, xsa_ref, xsb_ref):
    deg = degp_ref[0, :, 0:1] + degp_ref[1, :, 0:1] + 1.0
    dinv = lax.rsqrt(deg)
    dinv_ref[...] = dinv
    xsa_ref[...] = x1_ref[...] * dinv
    xsb_ref[...] = x2_ref[...] * dinv


def _tc1(degp, x1p, x2p):
    nb = N_PAD // BLK
    return pl.pallas_call(
        _tc1_body,
        grid=(nb,),
        in_specs=[
            pl.BlockSpec((NC, BLK, 16), lambda i: (0, i, 0)),
            pl.BlockSpec((BLK, D), lambda i: (i, 0)),
            pl.BlockSpec((BLK, D), lambda i: (i, 0)),
        ],
        out_specs=[
            pl.BlockSpec((BLK, 1), lambda i: (i, 0)),
            pl.BlockSpec((BLK, D), lambda i: (i, 0)),
            pl.BlockSpec((BLK, D), lambda i: (i, 0)),
        ],
        out_shape=[
            jax.ShapeDtypeStruct((N_PAD, 1), jnp.float32),
            jax.ShapeDtypeStruct((N_PAD, D), jnp.float32),
            jax.ShapeDtypeStruct((N_PAD, D), jnp.float32),
        ],
    )(degp, x1p, x2p)


def _tc2_body(dinv_ref, agg_ref, xs_ref, w_ref, b_ref, a_ref, out_ref):
    dinv = dinv_ref[...]
    z = dinv * (agg_ref[0] + xs_ref[0])
    h = jnp.dot(z, w_ref[0], preferred_element_type=jnp.float32) + b_ref[0]
    h = jnp.maximum(h, 0.0) + a_ref[0] * jnp.minimum(h, 0.0)
    out_ref[0] = dinv * h


def _tc2(dinv, agg, xs, wst, bst, ast):
    nb = N_PAD // BLK
    return pl.pallas_call(
        _tc2_body,
        grid=(NC, nb),
        in_specs=[
            pl.BlockSpec((BLK, 1), lambda c, i: (i, 0)),
            pl.BlockSpec((1, BLK, D), lambda c, i: (c, i, 0)),
            pl.BlockSpec((1, BLK, D), lambda c, i: (c, i, 0)),
            pl.BlockSpec((1, D, D), lambda c, i: (c, 0, 0)),
            pl.BlockSpec((1, 1, D), lambda c, i: (c, 0, 0)),
            pl.BlockSpec((1, 1, D), lambda c, i: (c, 0, 0)),
        ],
        out_specs=pl.BlockSpec((1, BLK, D), lambda c, i: (c, i, 0)),
        out_shape=jax.ShapeDtypeStruct((NC, N_PAD, D), jnp.float32),
    )(dinv, agg, xs, wst, bst, ast)


def _tc3_body(dinv_ref, agg_ref, xs_ref, w_ref, b_ref, a_ref, alpha_ref,
              out_ref):
    dinv = dinv_ref[...]

    def tower(c):
        z = dinv * (agg_ref[c] + xs_ref[c])
        h = jnp.dot(z, w_ref[c], preferred_element_type=jnp.float32) + b_ref[c]
        h = jnp.maximum(h, 0.0) + a_ref[c] * jnp.minimum(h, 0.0)
        nrm = jnp.sqrt(jnp.sum(h * h, axis=1, keepdims=True))
        return h / jnp.maximum(nrm, 1e-12)

    g1 = tower(0)
    g2 = tower(1)
    e0 = jnp.exp(alpha_ref[0, 0] - jnp.maximum(alpha_ref[0, 0],
                                               alpha_ref[0, 1]))
    e1 = jnp.exp(alpha_ref[0, 1] - jnp.maximum(alpha_ref[0, 0],
                                               alpha_ref[0, 1]))
    w0 = e0 / (e0 + e1)
    out_ref[...] = g1 * w0 + g2 * (1.0 - w0)


def _tc3(dinv, agg2, xs2, wst, bst, ast, alphap):
    nb = N_PAD // BLK
    return pl.pallas_call(
        _tc3_body,
        grid=(nb,),
        in_specs=[
            pl.BlockSpec((BLK, 1), lambda i: (i, 0)),
            pl.BlockSpec((NC, BLK, D), lambda i: (0, i, 0)),
            pl.BlockSpec((NC, BLK, D), lambda i: (0, i, 0)),
            pl.BlockSpec((NC, D, D), lambda i: (0, 0, 0)),
            pl.BlockSpec((NC, 1, D), lambda i: (0, 0, 0)),
            pl.BlockSpec((NC, 1, D), lambda i: (0, 0, 0)),
            pl.BlockSpec((1, 128), lambda i: (0, 0)),
        ],
        out_specs=pl.BlockSpec((BLK, D), lambda i: (i, 0)),
        out_shape=jax.ShapeDtypeStruct((N_PAD, D), jnp.float32),
    )(dinv, agg2, xs2, wst, bst, ast, alphap)



def kernel(x1, x2, edge_index, W1, b1, W2, b2, W3, b3, W4, b4,
           a1, a2, a3, a4, alpha):
    n = x1.shape[0]

    src = edge_index[0].astype(jnp.int32)
    dst = edge_index[1].astype(jnp.int32)
    e = src.shape[0]
    ep = -(-e // (CH * NC * NS)) * (CH * NC * NS)
    pad = ep - e
    srcp = jnp.concatenate([src, jnp.full((pad,), n, jnp.int32)])
    dstp = jnp.concatenate([dst, jnp.full((pad,), n, jnp.int32)])
    srcp = srcp.reshape(ep // CH, CH)
    dstp = dstp.reshape(ep // CH, CH)
    srcp2 = jnp.stack([srcp, srcp + N_PAD])

    x1p = jnp.pad(x1, ((0, N_PAD - n), (0, 0)))
    x2p = jnp.pad(x2, ((0, N_PAD - n), (0, 0)))

    w12 = jnp.stack([W1, W2])
    b12 = jnp.stack([b1, b2]).reshape(NC, 1, D)
    a13 = jnp.stack([a1, a3]).reshape(NC, 1, D)
    w34 = jnp.stack([W3, W4])
    b34 = jnp.stack([b3, b4]).reshape(NC, 1, D)
    a24 = jnp.stack([a2, a4]).reshape(NC, 1, D)
    alphap = jnp.pad(alpha, (0, 128 - alpha.shape[0])).reshape(1, 128)

    degp = _sc_deg(dstp.reshape(ep // CH, 1, CH))
    dinv, xsa, xsb = _tc1(degp, x1p, x2p)
    xs = jnp.concatenate([xsa, xsb], axis=0)

    agg1 = _sc_agg(xs, srcp2, dstp)
    xs2 = _tc2(dinv, agg1.reshape(NC, N_PAD, D),
               jnp.stack([xsa, xsb]), w12, b12, a13)

    agg2 = _sc_agg(xs2.reshape(NC * N_PAD, D), srcp2, dstp)
    out = _tc3(dinv, agg2.reshape(NC, N_PAD, D), xs2, w34, b34, a24, alphap)

    return out[:n]

# --- scband reference (transcript-rebuilt; emitter-appended) ---
"""Pipeline reference for scband-graph-fusion-71399536328730 (READ-ONLY COPY).

The authoritative reference and input builder live on the scoring server;
editing this copy changes nothing except your own understanding.
"""

import jax, jax.numpy as jnp
import numpy as np

N_NODES = 10000
D = 128

def _glorot(key, shape):
    lim = float(np.sqrt(6.0 / (shape[0] + shape[1])))
    return jax.random.uniform(key, shape, dtype=jnp.float32, minval=-lim, maxval=lim)

def setup_inputs(seed: int = 0) -> dict:
    key = jax.random.key(seed)
    ks = jax.random.split(key, 16)
    x1 = jax.random.normal(ks[0], (N_NODES, D), dtype=jnp.float32)
    x2 = jax.random.normal(ks[1], (N_NODES, D), dtype=jnp.float32)
    edge_index = jax.random.randint(ks[2], (2, 320000), 0, N_NODES, dtype=jnp.int64)
    W1 = _glorot(ks[3], (D, D)); b1 = jnp.zeros((D,), jnp.float32)
    W2 = _glorot(ks[4], (D, D)); b2 = jnp.zeros((D,), jnp.float32)
    W3 = _glorot(ks[5], (D, D)); b3 = jnp.zeros((D,), jnp.float32)
    W4 = _glorot(ks[6], (D, D)); b4 = jnp.zeros((D,), jnp.float32)
    a1 = jnp.full((D,), 0.25, jnp.float32)
    a2 = jnp.full((D,), 0.25, jnp.float32)
    a3 = jnp.full((D,), 0.25, jnp.float32)
    a4 = jnp.full((D,), 0.25, jnp.float32)
    alpha = jnp.ones((2,), jnp.float32)
    return {"x1": x1, "x2": x2, "edge_index": edge_index,
            "W1": W1, "b1": b1, "W2": W2, "b2": b2,
            "W3": W3, "b3": b3, "W4": W4, "b4": b4,
            "a1": a1, "a2": a2, "a3": a3, "a4": a4, "alpha": alpha}

def _add_self_loops(edge_index, n):
    loop = jnp.arange(n, dtype=edge_index.dtype)
    src = jnp.concatenate([edge_index[0], loop])
    dst = jnp.concatenate([edge_index[1], loop])
    return src, dst

def _gcn_conv(x, src, dst, norm, W, b, n):
    h = x @ W
    msg = h[src] * norm[:, None]
    out = jax.ops.segment_sum(msg, dst, num_segments=n)
    return out + b

def _prelu(x, a):
    return jnp.maximum(x, 0.0) + a * jnp.minimum(x, 0.0)

def _l2norm(x):
    nrm = jnp.sqrt(jnp.sum(x * x, axis=1, keepdims=True))
    return x / jnp.maximum(nrm, 1e-12)

def reference(x1, x2, edge_index, W1, b1, W2, b2, W3, b3, W4, b4, a1, a2, a3, a4, alpha):
    n = x1.shape[0]
    src, dst = _add_self_loops(edge_index, n)
    deg = jax.ops.segment_sum(jnp.ones_like(dst, dtype=jnp.float32), dst, num_segments=n)
    dinv = jnp.where(deg > 0, 1.0 / jnp.sqrt(deg), 0.0)
    norm = dinv[src] * dinv[dst]
    h1 = _gcn_conv(x1, src, dst, norm, W1, b1, n)
    h1 = _prelu(h1, a1)
    h1 = _gcn_conv(h1, src, dst, norm, W3, b3, n)
    h1 = _prelu(h1, a2)
    h1 = _l2norm(h1)
    h2 = _gcn_conv(x2, src, dst, norm, W2, b2, n)
    h2 = _prelu(h2, a3)
    h2 = _gcn_conv(h2, src, dst, norm, W4, b4, n)
    h2 = _prelu(h2, a4)
    h2 = _l2norm(h2)
    w = jax.nn.softmax(alpha)
    return h1 * w[0] + h2 * w[1]

if __name__ == "__main__":
    import jax
    _d = setup_inputs()
    print(jax.jit(kernel)(*tuple(_d.values())))

</pallas_src>

<mosaic_0001>
#map = affine_map<(d0, d1) -> (0, 0, 0)>
module attributes {stable_mosaic.version = 14 : i64} {
  func.func @_deg_body(%arg0: i32, %arg1: i32, %arg2: memref<2528x1x128xi32, #tpu.memory_space<hbm>>, %arg3: memref<2x10240x16xf32, #tpu.memory_space<hbm>>, %arg4: memref<128x16xf32, #tpu.memory_space<vmem>>, %arg5: memref<128x16xf32, #tpu.memory_space<vmem>>, %arg6: memref<79x1x128xi32, #tpu.memory_space<vmem>>, %arg7: memref<10240x16xf32, #tpu.memory_space<vmem_shared>>, %arg8: memref<!tpu.dma_semaphore, #tpu.memory_space<semaphore_mem>>) attributes {dimension_semantics = [#tpu.dimension_semantics<core_parallel>, #tpu.dimension_semantics<subcore_parallel>], iteration_bounds = array<i64: 2, 16>, scalar_prefetch = 0 : i64, scratch_operands = 5 : i64, tpu.core_type = #tpu.core_type<sc_vector_subcore>, window_params = [{transform_indices = #map}, {transform_indices = #map}]} {
    %mul3A = arith.constant 16 : i32
    %mul3A_0 = arith.muli %arg0, %mul3A : i32
    %add3A = arith.addi %mul3A_0, %arg1 : i32
    %scan3A = arith.constant 0 : i32
    %scan3A_1 = arith.constant 128 : i32
    %scan3A_2 = arith.addi %scan3A, %scan3A_1 : i32
    %scan3A_3 = arith.constant 1 : i32
    scf.for %scan3A_22 = %scan3A to %scan3A_2 step %scan3A_3  : i32 {
      %mul3A_23 = arith.constant 1 : i32
      %mul3A_24 = arith.muli %scan3A_22, %mul3A_23 : i32
      %add3A_25 = arith.constant 0 : i32
      %add3A_26 = arith.addi %add3A_25, %mul3A_24 : i32
      %broadcast_in_dim3A = arith.constant 1.000000e+00 : f32
      %broadcast_in_dim3A_27 = vector.broadcast %broadcast_in_dim3A : f32 to vector<16xf32>
      %swap3A = arith.index_cast %add3A_26 : i32 to index
      %swap3A_28 = arith.constant 0 : index
      %swap3A_29 = tpu.vector_load %arg4[%swap3A, %swap3A_28] {strides = array<i32>} : memref<128x16xf32, #tpu.memory_space<vmem>>, vector<1x16xf32>,
      %swap3A_30 = vector.shape_cast %swap3A_29 : vector<1x16xf32> to vector<16xf32>
      %swap3A_31 = vector.shape_cast %broadcast_in_dim3A_27 : vector<16xf32> to vector<1x16xf32>
      tpu.vector_store %arg4[%swap3A, %swap3A_28], %swap3A_31 {strides = array<i32>} : memref<128x16xf32, #tpu.memory_space<vmem>>, vector<1x16xf32>,
      %broadcast_in_dim3A_32 = arith.constant 0.000000e+00 : f32
      %broadcast_in_dim3A_33 = vector.broadcast %broadcast_in_dim3A_32 : f32 to vector<16xf32>
      %swap3A_34 = arith.index_cast %add3A_26 : i32 to index
      %swap3A_35 = arith.constant 0 : index
      %swap3A_36 = tpu.vector_load %arg5[%swap3A_34, %swap3A_35] {strides = array<i32>} : memref<128x16xf32, #tpu.memory_space<vmem>>, vector<1x16xf32>,
      %swap3A_37 = vector.shape_cast %swap3A_36 : vector<1x16xf32> to vector<16xf32>
      %swap3A_38 = vector.shape_cast %broadcast_in_dim3A_33 : vector<16xf32> to vector<1x16xf32>
      tpu.vector_store %arg5[%swap3A_34, %swap3A_35], %swap3A_38 {strides = array<i32>} : memref<128x16xf32, #tpu.memory_space<vmem>>, vector<1x16xf32>,
    }
    %scan3A_4 = arith.constant 128 : i32
    %scan3A_5 = arith.constant 0 : i32
    %scan3A_6 = arith.constant 5 : i32
    %scan3A_7 = arith.addi %scan3A_5, %scan3A_6 : i32
    %scan3A_8 = arith.constant 1 : i32
    scf.for %scan3A_22 = %scan3A_5 to %scan3A_7 step %scan3A_8  : i32 {
      %mul3A_23 = arith.constant 1 : i32
      %mul3A_24 = arith.muli %scan3A_22, %mul3A_23 : i32
      %add3A_25 = arith.constant 0 : i32
      %add3A_26 = arith.addi %add3A_25, %mul3A_24 : i32
      %mul3A_27 = arith.constant 640 : i32
      %mul3A_28 = arith.muli %arg1, %mul3A_27 : i32
      %mul3A_29 = arith.constant 128 : i32
      %mul3A_30 = arith.muli %add3A_26, %mul3A_29 : i32
      %add3A_31 = arith.addi %mul3A_28, %mul3A_30 : i32
      "tpu.region"() ({
        %run_scoped3A = tpu.sem_alloc : memref<!tpu.dma_semaphore, #tpu.memory_space<semaphore_mem>>
        %dma_start3A = arith.constant 0 : i32
        %dma_start3A_32 = tpu.memref_slice %arg7[%add3A_31, %dma_start3A] : memref<10240x16xf32, #tpu.memory_space<vmem_shared>> -> memref<128x16xf32, #tpu.memory_space<vmem_shared>>
        %dma_start3A_33 = arith.constant 0 : i32
        %dma_start3A_34 = tpu.memref_slice %arg7[%add3A_31, %dma_start3A_33] : memref<10240x16xf32, #tpu.memory_space<vmem_shared>> -> memref<128x16xf32, #tpu.memory_space<vmem_shared>>
        tpu.enqueue_dma source(%arg5 : memref<128x16xf32, #tpu.memory_space<vmem>>) target(%dma_start3A_34 : memref<128x16xf32, #tpu.memory_space<vmem_shared>>) target_semaphore(%run_scoped3A : memref<!tpu.dma_semaphore, #tpu.memory_space<semaphore_mem>>)
        %dma_wait3A = arith.constant 0 : i32
        %dma_wait3A_35 = tpu.memref_slice %arg7[%add3A_31, %dma_wait3A] : memref<10240x16xf32, #tpu.memory_space<vmem_shared>> -> memref<128x16xf32, #tpu.memory_space<vmem_shared>>
        %dma_wait3A_36 = arith.constant 0 : i32
        %dma_wait3A_37 = tpu.memref_slice %arg7[%add3A_31, %dma_wait3A_36] : memref<10240x16xf32, #tpu.memory_space<vmem_shared>> -> memref<128x16xf32, #tpu.memory_space<vmem_shared>>
        tpu.wait_dma2 semaphore(%run_scoped3A : memref<!tpu.dma_semaphore, #tpu.memory_space<semaphore_mem>>) src(%arg5 : memref<128x16xf32, #tpu.memory_space<vmem>>) dst(%dma_wait3A_37 : memref<128x16xf32, #tpu.memory_space<vmem_shared>>)
        tpu.yield
      }) : () -> ()
    }
    %scan3A_9 = arith.constant 5 : i32
    %mul3A_10 = arith.constant 79 : i32
    %mul3A_11 = arith.muli %add3A, %mul3A_10 : i32
    "tpu.region"() ({
      %run_scoped3A = tpu.sem_alloc : memref<!tpu.dma_semaphore, #tpu.memory_space<semaphore_mem>>
      %dma_start3A = arith.constant 0 : i32
      %dma_start3A_22 = arith.constant 0 : i32
      %dma_start3A_23 = tpu.memref_slice %arg2[%mul3A_11, %dma_start3A, %dma_start3A_22] : memref<2528x1x128xi32, #tpu.memory_space<hbm>> -> memref<79x1x128xi32, #tpu.memory_space<hbm>>
      %dma_start3A_24 = arith.constant 0 : i32
      %dma_start3A_25 = arith.constant 0 : i32
      %dma_start3A_26 = tpu.memref_slice %arg2[%mul3A_11, %dma_start3A_24, %dma_start3A_25] : memref<2528x1x128xi32, #tpu.memory_space<hbm>> -> memref<79x1x128xi32, #tpu.memory_space<hbm>>
      tpu.enqueue_dma source(%dma_start3A_26 : memref<79x1x128xi32, #tpu.memory_space<hbm>>) target(%arg6 : memref<79x1x128xi32, #tpu.memory_space<vmem>>) target_semaphore(%run_scoped3A : memref<!tpu.dma_semaphore, #tpu.memory_space<semaphore_mem>>)
      %dma_wait3A = arith.constant 0 : i32
      %dma_wait3A_27 = arith.constant 0 : i32
      %dma_wait3A_28 = tpu.memref_slice %arg2[%mul3A_11, %dma_wait3A, %dma_wait3A_27] : memref<2528x1x128xi32, #tpu.memory_space<hbm>> -> memref<79x1x128xi32, #tpu.memory_space<hbm>>
      %dma_wait3A_29 = arith.constant 0 : i32
      %dma_wait3A_30 = arith.constant 0 : i32
      %dma_wait3A_31 = tpu.memref_slice %arg2[%mul3A_11, %dma_wait3A_29, %dma_wait3A_30] : memref<2528x1x128xi32, #tpu.memory_space<hbm>> -> memref<79x1x128xi32, #tpu.memory_space<hbm>>
      tpu.wait_dma2 semaphore(%run_scoped3A : memref<!tpu.dma_semaphore, #tpu.memory_space<semaphore_mem>>) src(%dma_wait3A_31 : memref<79x1x128xi32, #tpu.memory_space<hbm>>) dst(%arg6 : memref<79x1x128xi32, #tpu.memory_space<vmem>>)
      tpu.yield
    }) : () -> ()
    %barrier3A = arith.constant 0 : index
    tpu.barrier barrier_id(%barrier3A)
    %scan3A_12 = arith.constant 0 : i32
    %scan3A_13 = arith.constant 79 : i32
    %scan3A_14 = arith.addi %scan3A_12, %scan3A_13 : i32
    %scan3A_15 = arith.constant 1 : i32
    scf.for %scan3A_22 = %scan3A_12 to %scan3A_14 step %scan3A_15  : i32 {
      %mul3A_23 = arith.constant 1 : i32
      %mul3A_24 = arith.muli %scan3A_22, %mul3A_23 : i32
      %add3A_25 = arith.constant 0 : i32
      %add3A_26 = arith.addi %add3A_25, %mul3A_24 : i32
      %run_scoped3A = arith.constant 0 : i32
      "tpu.region"() ({
        %run_scoped3A_27 = tpu.sem_alloc : memref<!tpu.dma_semaphore, #tpu.memory_space<semaphore_mem>>
        %dma_start3A = arith.constant 0 : i32
        %dma_start3A_28 = tpu.memref_slice %arg6[%add3A_26, %run_scoped3A, %dma_start3A] : memref<79x1x128xi32, #tpu.memory_space<vmem>> -> memref<1x1x128xi32, #tpu.memory_space<vmem>>
        %dma_start3A_29 = tpu.memref_squeeze %dma_start3A_28 : memref<1x1x128xi32, #tpu.memory_space<vmem>> -> memref<128xi32, #tpu.memory_space<vmem>>
        %dma_start3A_30 = arith.constant 0 : i32
        %dma_start3A_31 = arith.constant 0 : i32
        %dma_start3A_32 = tpu.memref_slice %arg7[%dma_start3A_30, %dma_start3A_31] : memref<10240x16xf32, #tpu.memory_space<vmem_shared>> -> memref<10240x16xf32, #tpu.memory_space<vmem_shared>>
        tpu.enqueue_indirect_dma source(%arg4 : memref<128x16xf32, #tpu.memory_space<vmem>>) target(%dma_start3A_32 : memref<10240x16xf32, #tpu.memory_space<vmem_shared>>) offsets(%dma_start3A_29 : memref<128xi32, #tpu.memory_space<vmem>>) semaphore(%run_scoped3A_27 : memref<!tpu.dma_semaphore, #tpu.memory_space<semaphore_mem>>) {add = true}
        %dma_wait3A = arith.constant 0 : i32
        %dma_wait3A_33 = tpu.memref_slice %arg6[%add3A_26, %run_scoped3A, %dma_wait3A] : memref<79x1x128xi32, #tpu.memory_space<vmem>> -> memref<1x1x128xi32, #tpu.memory_space<vmem>>
        %dma_wait3A_34 = tpu.memref_squeeze %dma_wait3A_33 : memref<1x1x128xi32, #tpu.memory_space<vmem>> -> memref<128xi32, #tpu.memory_space<vmem>>
        %dma_wait3A_35 = arith.constant 0 : i32
        %dma_wait3A_36 = arith.constant 0 : i32
        %dma_wait3A_37 = tpu.memref_slice %arg7[%dma_wait3A_35, %dma_wait3A_36] : memref<10240x16xf32, #tpu.memory_space<vmem_shared>> -> memref<10240x16xf32, #tpu.memory_space<vmem_shared>>
        tpu.wait_indirect_dma semaphore(%run_scoped3A_27 : memref<!tpu.dma_semaphore, #tpu.memory_space<semaphore_mem>>) src(%arg4 : memref<128x16xf32, #tpu.memory_space<vmem>>) dst(%dma_wait3A_37 : memref<10240x16xf32, #tpu.memory_space<vmem_shared>>)
        tpu.yield
      }) : () -> ()
    }
    %scan3A_16 = arith.constant 79 : i32
    %barrier3A_17 = arith.constant 0 : index
    tpu.barrier barrier_id(%barrier3A_17)
    %mul3A_18 = arith.constant 640 : i32
    %mul3A_19 = arith.muli %arg1, %mul3A_18 : i32
    %mul3A_20 = arith.constant 640 : i32
    %mul3A_21 = arith.muli %arg1, %mul3A_20 : i32
    "tpu.region"() ({
      %run_scoped3A = tpu.sem_alloc : memref<!tpu.dma_semaphore, #tpu.memory_space<semaphore_mem>>
      %dma_start3A = arith.constant 0 : i32
      %dma_start3A_22 = tpu.memref_slice %arg3[%arg0, %mul3A_21, %dma_start3A] : memref<2x10240x16xf32, #tpu.memory_space<hbm>> -> memref<1x640x16xf32, #tpu.memory_space<hbm>>
      %dma_start3A_23 = tpu.memref_squeeze %dma_start3A_22 : memref<1x640x16xf32, #tpu.memory_space<hbm>> -> memref<640x16xf32, #tpu.memory_space<hbm>>
      %dma_start3A_24 = arith.constant 0 : i32
      %dma_start3A_25 = tpu.memref_slice %arg7[%mul3A_19, %dma_start3A_24] : memref<10240x16xf32, #tpu.memory_space<vmem_shared>> -> memref<640x16xf32, #tpu.memory_space<vmem_shared>>
      tpu.enqueue_dma source(%dma_start3A_25 : memref<640x16xf32, #tpu.memory_space<vmem_shared>>) target(%dma_start3A_23 : memref<640x16xf32, #tpu.memory_space<hbm>>) target_semaphore(%run_scoped3A : memref<!tpu.dma_semaphore, #tpu.memory_space<semaphore_mem>>)
      %dma_wait3A = arith.constant 0 : i32
      %dma_wait3A_26 = tpu.memref_slice %arg3[%arg0, %mul3A_21, %dma_wait3A] : memref<2x10240x16xf32, #tpu.memory_space<hbm>> -> memref<1x640x16xf32, #tpu.memory_space<hbm>>
      %dma_wait3A_27 = tpu.memref_squeeze %dma_wait3A_26 : memref<1x640x16xf32, #tpu.memory_space<hbm>> -> memref<640x16xf32, #tpu.memory_space<hbm>>
      %dma_wait3A_28 = arith.constant 0 : i32
      %dma_wait3A_29 = tpu.memref_slice %arg7[%mul3A_19, %dma_wait3A_28] : memref<10240x16xf32, #tpu.memory_space<vmem_shared>> -> memref<640x16xf32, #tpu.memory_space<vmem_shared>>
      tpu.wait_dma2 semaphore(%run_scoped3A : memref<!tpu.dma_semaphore, #tpu.memory_space<semaphore_mem>>) src(%dma_wait3A_29 : memref<640x16xf32, #tpu.memory_space<vmem_shared>>) dst(%dma_wait3A_27 : memref<640x16xf32, #tpu.memory_space<hbm>>)
      tpu.yield
    }) : () -> ()
    return
  }
}

#map = affine_map<(d0, d1) -> (0, 0)>
#map1 = affine_map<(d0, d1) -> (0, 0, 0)>
module attributes {stable_mosaic.version = 14 : i64} {
  func.func @_agg_body(%arg0: i32, %arg1: i32, %arg2: memref<20480x128xf32, #tpu.memory_space<hbm>>, %arg3: memref<2x2528x128xi32, #tpu.memory_space<hbm>>, %arg4: memref<2528x128xi32, #tpu.memory_space<hbm>>, %arg5: memref<20480x128xf32, #tpu.memory_space<hbm>>, %arg6: memref<1x128xi32, #tpu.memory_space<vmem>>, %arg7: memref<1x128xi32, #tpu.memory_space<vmem>>, %arg8: memref<128x128xf32, #tpu.memory_space<vmem>>, %arg9: memref<10240x128xf32, #tpu.memory_space<vmem_shared>>) attributes {dimension_semantics = [#tpu.dimension_semantics<core_parallel>, #tpu.dimension_semantics<subcore_parallel>], iteration_bounds = array<i64: 2, 16>, scalar_prefetch = 0 : i64, scratch_operands = 4 : i64, tpu.core_type = #tpu.core_type<sc_vector_subcore>, window_params = [{transform_indices = #map}, {transform_indices = #map1}, {transform_indices = #map}, {transform_indices = #map}]} {
    %scan3A = arith.constant 0 : i32
    %scan3A_0 = arith.constant 128 : i32
    %scan3A_1 = arith.addi %scan3A, %scan3A_0 : i32
    %scan3A_2 = arith.constant 1 : i32
    scf.for %scan3A_20 = %scan3A to %scan3A_1 step %scan3A_2  : i32 {
      %mul3A = arith.constant 1 : i32
      %mul3A_21 = arith.muli %scan3A_20, %mul3A : i32
      %add3A = arith.constant 0 : i32
      %add3A_22 = arith.addi %add3A, %mul3A_21 : i32
      %scan3A_23 = arith.constant 0 : i32
      %scan3A_24 = arith.constant 8 : i32
      %scan3A_25 = arith.addi %scan3A_23, %scan3A_24 : i32
      %scan3A_26 = arith.constant 1 : i32
      scf.for %scan3A_28 = %scan3A_23 to %scan3A_25 step %scan3A_26  : i32 {
        %mul3A_29 = arith.constant 1 : i32
        %mul3A_30 = arith.muli %scan3A_28, %mul3A_29 : i32
        %add3A_31 = arith.constant 0 : i32
        %add3A_32 = arith.addi %add3A_31, %mul3A_30 : i32
        %broadcast_in_dim3A = arith.constant 0.000000e+00 : f32
        %broadcast_in_dim3A_33 = vector.broadcast %broadcast_in_dim3A : f32 to vector<16xf32>
        %mul3A_34 = arith.constant 16 : i32
        %mul3A_35 = arith.muli %add3A_32, %mul3A_34 : i32
        %swap3A = arith.index_cast %add3A_22 : i32 to index
        %swap3A_36 = arith.index_cast %mul3A_35 : i32 to index
        %swap3A_37 = tpu.vector_load %arg8[%swap3A, %swap3A_36] {strides = array<i32>} : memref<128x128xf32, #tpu.memory_space<vmem>>, vector<1x16xf32>,
        %swap3A_38 = vector.shape_cast %swap3A_37 : vector<1x16xf32> to vector<16xf32>
        %swap3A_39 = vector.shape_cast %broadcast_in_dim3A_33 : vector<16xf32> to vector<1x16xf32>
        tpu.vector_store %arg8[%swap3A, %swap3A_36], %swap3A_39 {strides = array<i32>} : memref<128x128xf32, #tpu.memory_space<vmem>>, vector<1x16xf32>,
      }
      %scan3A_27 = arith.constant 8 : i32
    }
    %scan3A_3 = arith.constant 128 : i32
    %scan3A_4 = arith.constant 0 : i32
    %scan3A_5 = arith.constant 5 : i32
    %scan3A_6 = arith.addi %scan3A_4, %scan3A_5 : i32
    %scan3A_7 = arith.constant 1 : i32
    scf.for %scan3A_20 = %scan3A_4 to %scan3A_6 step %scan3A_7  : i32 {
      %mul3A = arith.constant 1 : i32
      %mul3A_21 = arith.muli %scan3A_20, %mul3A : i32
      %add3A = arith.constant 0 : i32
      %add3A_22 = arith.addi %add3A, %mul3A_21 : i32
      %mul3A_23 = arith.constant 640 : i32
      %mul3A_24 = arith.muli %arg1, %mul3A_23 : i32
      %mul3A_25 = arith.constant 128 : i32
      %mul3A_26 = arith.muli %add3A_22, %mul3A_25 : i32
      %add3A_27 = arith.addi %mul3A_24, %mul3A_26 : i32
      "tpu.region"() ({
        %run_scoped3A = tpu.sem_alloc : memref<!tpu.dma_semaphore, #tpu.memory_space<semaphore_mem>>
        %dma_start3A = arith.constant 0 : i32
        %dma_start3A_28 = tpu.memref_slice %arg9[%add3A_27, %dma_start3A] : memref<10240x128xf32, #tpu.memory_space<vmem_shared>> -> memref<128x128xf32, #tpu.memory_space<vmem_shared>>
        %dma_start3A_29 = arith.constant 0 : i32
        %dma_start3A_30 = tpu.memref_slice %arg9[%add3A_27, %dma_start3A_29] : memref<10240x128xf32, #tpu.memory_space<vmem_shared>> -> memref<128x128xf32, #tpu.memory_space<vmem_shared>>
        tpu.enqueue_dma source(%arg8 : memref<128x128xf32, #tpu.memory_space<vmem>>) target(%dma_start3A_30 : memref<128x128xf32, #tpu.memory_space<vmem_shared>>) target_semaphore(%run_scoped3A : memref<!tpu.dma_semaphore, #tpu.memory_space<semaphore_mem>>)
        %dma_wait3A = arith.constant 0 : i32
        %dma_wait3A_31 = tpu.memref_slice %arg9[%add3A_27, %dma_wait3A] : memref<10240x128xf32, #tpu.memory_space<vmem_shared>> -> memref<128x128xf32, #tpu.memory_space<vmem_shared>>
        %dma_wait3A_32 = arith.constant 0 : i32
        %dma_wait3A_33 = tpu.memref_slice %arg9[%add3A_27, %dma_wait3A_32] : memref<10240x128xf32, #tpu.memory_space<vmem_shared>> -> memref<128x128xf32, #tpu.memory_space<vmem_shared>>
        tpu.wait_dma2 semaphore(%run_scoped3A : memref<!tpu.dma_semaphore, #tpu.memory_space<semaphore_mem>>) src(%arg8 : memref<128x128xf32, #tpu.memory_space<vmem>>) dst(%dma_wait3A_33 : memref<128x128xf32, #tpu.memory_space<vmem_shared>>)
        tpu.yield
      }) : () -> ()
    }
    %scan3A_8 = arith.constant 5 : i32
    %barrier3A = arith.constant 0 : index
    tpu.barrier barrier_id(%barrier3A)
    %scan3A_9 = arith.constant 0 : i32
    %scan3A_10 = arith.constant 158 : i32
    %scan3A_11 = arith.addi %scan3A_9, %scan3A_10 : i32
    %scan3A_12 = arith.constant 1 : i32
    scf.for %scan3A_20 = %scan3A_9 to %scan3A_11 step %scan3A_12  : i32 {
      %mul3A = arith.constant 1 : i32
      %mul3A_21 = arith.muli %scan3A_20, %mul3A : i32
      %add3A = arith.constant 0 : i32
      %add3A_22 = arith.addi %add3A, %mul3A_21 : i32
      %mul3A_23 = arith.constant 158 : i32
      %mul3A_24 = arith.muli %arg1, %mul3A_23 : i32
      %add3A_25 = arith.addi %mul3A_24, %add3A_22 : i32
      %run_scoped3A = arith.constant 0 : i32
      "tpu.region"() ({
        %run_scoped3A_29 = tpu.sem_alloc : memref<!tpu.dma_semaphore, #tpu.memory_space<semaphore_mem>>
        %dma_start3A = arith.constant 0 : i32
        %dma_start3A_30 = tpu.memref_slice %arg6[%run_scoped3A, %dma_start3A] : memref<1x128xi32, #tpu.memory_space<vmem>> -> memref<1x128xi32, #tpu.memory_space<vmem>>
        %dma_start3A_31 = tpu.memref_squeeze %dma_start3A_30 : memref<1x128xi32, #tpu.memory_space<vmem>> -> memref<128xi32, #tpu.memory_space<vmem>>
        %dma_start3A_32 = arith.constant 0 : i32
        %dma_start3A_33 = tpu.memref_slice %arg3[%arg0, %add3A_25, %dma_start3A_32] : memref<2x2528x128xi32, #tpu.memory_space<hbm>> -> memref<1x1x128xi32, #tpu.memory_space<hbm>>
        %dma_start3A_34 = tpu.memref_squeeze %dma_start3A_33 : memref<1x1x128xi32, #tpu.memory_space<hbm>> -> memref<128xi32, #tpu.memory_space<hbm>>
        %dma_start3A_35 = arith.constant 0 : i32
        %dma_start3A_36 = tpu.memref_slice %arg6[%run_scoped3A, %dma_start3A_35] : memref<1x128xi32, #tpu.memory_space<vmem>> -> memref<1x128xi32, #tpu.memory_space<vmem>>
        %dma_start3A_37 = tpu.memref_squeeze %dma_start3A_36 : memref<1x128xi32, #tpu.memory_space<vmem>> -> memref<128xi32, #tpu.memory_space<vmem>>
        %dma_start3A_38 = arith.constant 0 : i32
        %dma_start3A_39 = tpu.memref_slice %arg3[%arg0, %add3A_25, %dma_start3A_38] : memref<2x2528x128xi32, #tpu.memory_space<hbm>> -> memref<1x1x128xi32, #tpu.memory_space<hbm>>
        %dma_start3A_40 = tpu.memref_squeeze %dma_start3A_39 : memref<1x1x128xi32, #tpu.memory_space<hbm>> -> memref<128xi32, #tpu.memory_space<hbm>>
        tpu.enqueue_dma source(%dma_start3A_40 : memref<128xi32, #tpu.memory_space<hbm>>) target(%dma_start3A_37 : memref<128xi32, #tpu.memory_space<vmem>>) target_semaphore(%run_scoped3A_29 : memref<!tpu.dma_semaphore, #tpu.memory_space<semaphore_mem>>)
        %dma_wait3A = arith.constant 0 : i32
        %dma_wait3A_41 = tpu.memref_slice %arg6[%run_scoped3A, %dma_wait3A] : memref<1x128xi32, #tpu.memory_space<vmem>> -> memref<1x128xi32, #tpu.memory_space<vmem>>
        %dma_wait3A_42 = tpu.memref_squeeze %dma_wait3A_41 : memref<1x128xi32, #tpu.memory_space<vmem>> -> memref<128xi32, #tpu.memory_space<vmem>>
        %dma_wait3A_43 = arith.constant 0 : i32
        %dma_wait3A_44 = tpu.memref_slice %arg3[%arg0, %add3A_25, %dma_wait3A_43] : memref<2x2528x128xi32, #tpu.memory_space<hbm>> -> memref<1x1x128xi32, #tpu.memory_space<hbm>>
        %dma_wait3A_45 = tpu.memref_squeeze %dma_wait3A_44 : memref<1x1x128xi32, #tpu.memory_space<hbm>> -> memref<128xi32, #tpu.memory_space<hbm>>
        %dma_wait3A_46 = arith.constant 0 : i32
        %dma_wait3A_47 = tpu.memref_slice %arg6[%run_scoped3A, %dma_wait3A_46] : memref<1x128xi32, #tpu.memory_space<vmem>> -> memref<1x128xi32, #tpu.memory_space<vmem>>
        %dma_wait3A_48 = tpu.memref_squeeze %dma_wait3A_47 : memref<1x128xi32, #tpu.memory_space<vmem>> -> memref<128xi32, #tpu.memory_space<vmem>>
        %dma_wait3A_49 = arith.constant 0 : i32
        %dma_wait3A_50 = tpu.memref_slice %arg3[%arg0, %add3A_25, %dma_wait3A_49] : memref<2x2528x128xi32, #tpu.memory_space<hbm>> -> memref<1x1x128xi32, #tpu.memory_space<hbm>>
        %dma_wait3A_51 = tpu.memref_squeeze %dma_wait3A_50 : memref<1x1x128xi32, #tpu.memory_space<hbm>> -> memref<128xi32, #tpu.memory_space<hbm>>
        tpu.wait_dma2 semaphore(%run_scoped3A_29 : memref<!tpu.dma_semaphore, #tpu.memory_space<semaphore_mem>>) src(%dma_wait3A_51 : memref<128xi32, #tpu.memory_space<hbm>>) dst(%dma_wait3A_48 : memref<128xi32, #tpu.memory_space<vmem>>)
        tpu.yield
      }) : () -> ()
      %run_scoped3A_26 = arith.constant 0 : i32
      "tpu.region"() ({
        %run_scoped3A_29 = tpu.sem_alloc : memref<!tpu.dma_semaphore, #tpu.memory_space<semaphore_mem>>
        %dma_start3A = arith.constant 0 : i32
        %dma_start3A_30 = tpu.memref_slice %arg7[%run_scoped3A_26, %dma_start3A] : memref<1x128xi32, #tpu.memory_space<vmem>> -> memref<1x128xi32, #tpu.memory_space<vmem>>
        %dma_start3A_31 = tpu.memref_squeeze %dma_start3A_30 : memref<1x128xi32, #tpu.memory_space<vmem>> -> memref<128xi32, #tpu.memory_space<vmem>>
        %dma_start3A_32 = arith.constant 0 : i32
        %dma_start3A_33 = tpu.memref_slice %arg4[%add3A_25, %dma_start3A_32] : memref<2528x128xi32, #tpu.memory_space<hbm>> -> memref<1x128xi32, #tpu.memory_space<hbm>>
        %dma_start3A_34 = tpu.memref_squeeze %dma_start3A_33 : memref<1x128xi32, #tpu.memory_space<hbm>> -> memref<128xi32, #tpu.memory_space<hbm>>
        %dma_start3A_35 = arith.constant 0 : i32
        %dma_start3A_36 = tpu.memref_slice %arg7[%run_scoped3A_26, %dma_start3A_35] : memref<1x128xi32, #tpu.memory_space<vmem>> -> memref<1x128xi32, #tpu.memory_space<vmem>>
        %dma_start3A_37 = tpu.memref_squeeze %dma_start3A_36 : memref<1x128xi32, #tpu.memory_space<vmem>> -> memref<128xi32, #tpu.memory_space<vmem>>
        %dma_start3A_38 = arith.constant 0 : i32
        %dma_start3A_39 = tpu.memref_slice %arg4[%add3A_25, %dma_start3A_38] : memref<2528x128xi32, #tpu.memory_space<hbm>> -> memref<1x128xi32, #tpu.memory_space<hbm>>
        %dma_start3A_40 = tpu.memref_squeeze %dma_start3A_39 : memref<1x128xi32, #tpu.memory_space<hbm>> -> memref<128xi32, #tpu.memory_space<hbm>>
        tpu.enqueue_dma source(%dma_start3A_40 : memref<128xi32, #tpu.memory_space<hbm>>) target(%dma_start3A_37 : memref<128xi32, #tpu.memory_space<vmem>>) target_semaphore(%run_scoped3A_29 : memref<!tpu.dma_semaphore, #tpu.memory_space<semaphore_mem>>)
        %dma_wait3A = arith.constant 0 : i32
        %dma_wait3A_41 = tpu.memref_slice %arg7[%run_scoped3A_26, %dma_wait3A] : memref<1x128xi32, #tpu.memory_space<vmem>> -> memref<1x128xi32, #tpu.memory_space<vmem>>
        %dma_wait3A_42 = tpu.memref_squeeze %dma_wait3A_41 : memref<1x128xi32, #tpu.memory_space<vmem>> -> memref<128xi32, #tpu.memory_space<vmem>>
        %dma_wait3A_43 = arith.constant 0 : i32
        %dma_wait3A_44 = tpu.memref_slice %arg4[%add3A_25, %dma_wait3A_43] : memref<2528x128xi32, #tpu.memory_space<hbm>> -> memref<1x128xi32, #tpu.memory_space<hbm>>
        %dma_wait3A_45 = tpu.memref_squeeze %dma_wait3A_44 : memref<1x128xi32, #tpu.memory_space<hbm>> -> memref<128xi32, #tpu.memory_space<hbm>>
        %dma_wait3A_46 = arith.constant 0 : i32
        %dma_wait3A_47 = tpu.memref_slice %arg7[%run_scoped3A_26, %dma_wait3A_46] : memref<1x128xi32, #tpu.memory_space<vmem>> -> memref<1x128xi32, #tpu.memory_space<vmem>>
        %dma_wait3A_48 = tpu.memref_squeeze %dma_wait3A_47 : memref<1x128xi32, #tpu.memory_space<vmem>> -> memref<128xi32, #tpu.memory_space<vmem>>
        %dma_wait3A_49 = arith.constant 0 : i32
        %dma_wait3A_50 = tpu.memref_slice %arg4[%add3A_25, %dma_wait3A_49] : memref<2528x128xi32, #tpu.memory_space<hbm>> -> memref<1x128xi32, #tpu.memory_space<hbm>>
        %dma_wait3A_51 = tpu.memref_squeeze %dma_wait3A_50 : memref<1x128xi32, #tpu.memory_space<hbm>> -> memref<128xi32, #tpu.memory_space<hbm>>
        tpu.wait_dma2 semaphore(%run_scoped3A_29 : memref<!tpu.dma_semaphore, #tpu.memory_space<semaphore_mem>>) src(%dma_wait3A_51 : memref<128xi32, #tpu.memory_space<hbm>>) dst(%dma_wait3A_48 : memref<128xi32, #tpu.memory_space<vmem>>)
        tpu.yield
      }) : () -> ()
      %run_scoped3A_27 = arith.constant 0 : i32
      "tpu.region"() ({
        %run_scoped3A_29 = tpu.sem_alloc : memref<!tpu.dma_semaphore, #tpu.memory_space<semaphore_mem>>
        %dma_start3A = arith.constant 0 : i32
        %dma_start3A_30 = tpu.memref_slice %arg6[%run_scoped3A_27, %dma_start3A] : memref<1x128xi32, #tpu.memory_space<vmem>> -> memref<1x128xi32, #tpu.memory_space<vmem>>
        %dma_start3A_31 = tpu.memref_squeeze %dma_start3A_30 : memref<1x128xi32, #tpu.memory_space<vmem>> -> memref<128xi32, #tpu.memory_space<vmem>>
        %dma_start3A_32 = arith.constant 0 : i32
        %dma_start3A_33 = arith.constant 0 : i32
        %dma_start3A_34 = tpu.memref_slice %arg2[%dma_start3A_32, %dma_start3A_33] : memref<20480x128xf32, #tpu.memory_space<hbm>> -> memref<20480x128xf32, #tpu.memory_space<hbm>>
        tpu.enqueue_indirect_dma source(%dma_start3A_34 : memref<20480x128xf32, #tpu.memory_space<hbm>>) target(%arg8 : memref<128x128xf32, #tpu.memory_space<vmem>>) offsets(%dma_start3A_31 : memref<128xi32, #tpu.memory_space<vmem>>) semaphore(%run_scoped3A_29 : memref<!tpu.dma_semaphore, #tpu.memory_space<semaphore_mem>>)
        %dma_wait3A = arith.constant 0 : i32
        %dma_wait3A_35 = tpu.memref_slice %arg6[%run_scoped3A_27, %dma_wait3A] : memref<1x128xi32, #tpu.memory_space<vmem>> -> memref<1x128xi32, #tpu.memory_space<vmem>>
        %dma_wait3A_36 = tpu.memref_squeeze %dma_wait3A_35 : memref<1x128xi32, #tpu.memory_space<vmem>> -> memref<128xi32, #tpu.memory_space<vmem>>
        %dma_wait3A_37 = arith.constant 0 : i32
        %dma_wait3A_38 = arith.constant 0 : i32
        %dma_wait3A_39 = tpu.memref_slice %arg2[%dma_wait3A_37, %dma_wait3A_38] : memref<20480x128xf32, #tpu.memory_space<hbm>> -> memref<20480x128xf32, #tpu.memory_space<hbm>>
        tpu.wait_indirect_dma semaphore(%run_scoped3A_29 : memref<!tpu.dma_semaphore, #tpu.memory_space<semaphore_mem>>) src(%dma_wait3A_39 : memref<20480x128xf32, #tpu.memory_space<hbm>>) dst(%arg8 : memref<128x128xf32, #tpu.memory_space<vmem>>)
        tpu.yield
      }) : () -> ()
      %run_scoped3A_28 = arith.constant 0 : i32
      "tpu.region"() ({
        %run_scoped3A_29 = tpu.sem_alloc : memref<!tpu.dma_semaphore, #tpu.memory_space<semaphore_mem>>
        %dma_start3A = arith.constant 0 : i32
        %dma_start3A_30 = tpu.memref_slice %arg7[%run_scoped3A_28, %dma_start3A] : memref<1x128xi32, #tpu.memory_space<vmem>> -> memref<1x128xi32, #tpu.memory_space<vmem>>
        %dma_start3A_31 = tpu.memref_squeeze %dma_start3A_30 : memref<1x128xi32, #tpu.memory_space<vmem>> -> memref<128xi32, #tpu.memory_space<vmem>>
        %dma_start3A_32 = arith.constant 0 : i32
        %dma_start3A_33 = arith.constant 0 : i32
        %dma_start3A_34 = tpu.memref_slice %arg9[%dma_start3A_32, %dma_start3A_33] : memref<10240x128xf32, #tpu.memory_space<vmem_shared>> -> memref<10240x128xf32, #tpu.memory_space<vmem_shared>>
        tpu.enqueue_indirect_dma source(%arg8 : memref<128x128xf32, #tpu.memory_space<vmem>>) target(%dma_start3A_34 : memref<10240x128xf32, #tpu.memory_space<vmem_shared>>) offsets(%dma_start3A_31 : memref<128xi32, #tpu.memory_space<vmem>>) semaphore(%run_scoped3A_29 : memref<!tpu.dma_semaphore, #tpu.memory_space<semaphore_mem>>) {add = true}
        %dma_wait3A = arith.constant 0 : i32
        %dma_wait3A_35 = tpu.memref_slice %arg7[%run_scoped3A_28, %dma_wait3A] : memref<1x128xi32, #tpu.memory_space<vmem>> -> memref<1x128xi32, #tpu.memory_space<vmem>>
        %dma_wait3A_36 = tpu.memref_squeeze %dma_wait3A_35 : memref<1x128xi32, #tpu.memory_space<vmem>> -> memref<128xi32, #tpu.memory_space<vmem>>
        %dma_wait3A_37 = arith.constant 0 : i32
        %dma_wait3A_38 = arith.constant 0 : i32
        %dma_wait3A_39 = tpu.memref_slice %arg9[%dma_wait3A_37, %dma_wait3A_38] : memref<10240x128xf32, #tpu.memory_space<vmem_shared>> -> memref<10240x128xf32, #tpu.memory_space<vmem_shared>>
        tpu.wait_indirect_dma semaphore(%run_scoped3A_29 : memref<!tpu.dma_semaphore, #tpu.memory_space<semaphore_mem>>) src(%arg8 : memref<128x128xf32, #tpu.memory_space<vmem>>) dst(%dma_wait3A_39 : memref<10240x128xf32, #tpu.memory_space<vmem_shared>>)
        tpu.yield
      }) : () -> ()
    }
    %scan3A_13 = arith.constant 158 : i32
    %barrier3A_14 = arith.constant 0 : index
    tpu.barrier barrier_id(%barrier3A_14)
    %scan3A_15 = arith.constant 0 : i32
    %scan3A_16 = arith.constant 5 : i32
    %scan3A_17 = arith.addi %scan3A_15, %scan3A_16 : i32
    %scan3A_18 = arith.constant 1 : i32
    scf.for %scan3A_20 = %scan3A_15 to %scan3A_17 step %scan3A_18  : i32 {
      %mul3A = arith.constant 1 : i32
      %mul3A_21 = arith.muli %scan3A_20, %mul3A : i32
      %add3A = arith.constant 0 : i32
      %add3A_22 = arith.addi %add3A, %mul3A_21 : i32
      %mul3A_23 = arith.constant 640 : i32
      %mul3A_24 = arith.muli %arg1, %mul3A_23 : i32
      %mul3A_25 = arith.constant 128 : i32
      %mul3A_26 = arith.muli %add3A_22, %mul3A_25 : i32
      %add3A_27 = arith.addi %mul3A_24, %mul3A_26 : i32
      %mul3A_28 = arith.constant 10240 : i32
      %mul3A_29 = arith.muli %arg0, %mul3A_28 : i32
      %mul3A_30 = arith.constant 640 : i32
      %mul3A_31 = arith.muli %arg1, %mul3A_30 : i32
      %add3A_32 = arith.addi %mul3A_29, %mul3A_31 : i32
      %mul3A_33 = arith.constant 128 : i32
      %mul3A_34 = arith.muli %add3A_22, %mul3A_33 : i32
      %add3A_35 = arith.addi %add3A_32, %mul3A_34 : i32
      "tpu.region"() ({
        %run_scoped3A = tpu.sem_alloc : memref<!tpu.dma_semaphore, #tpu.memory_space<semaphore_mem>>
        %dma_start3A = arith.constant 0 : i32
        %dma_start3A_36 = tpu.memref_slice %arg5[%add3A_35, %dma_start3A] : memref<20480x128xf32, #tpu.memory_space<hbm>> -> memref<128x128xf32, #tpu.memory_space<hbm>>
        %dma_start3A_37 = arith.constant 0 : i32
        %dma_start3A_38 = tpu.memref_slice %arg9[%add3A_27, %dma_start3A_37] : memref<10240x128xf32, #tpu.memory_space<vmem_shared>> -> memref<128x128xf32, #tpu.memory_space<vmem_shared>>
        tpu.enqueue_dma source(%dma_start3A_38 : memref<128x128xf32, #tpu.memory_space<vmem_shared>>) target(%dma_start3A_36 : memref<128x128xf32, #tpu.memory_space<hbm>>) target_semaphore(%run_scoped3A : memref<!tpu.dma_semaphore, #tpu.memory_space<semaphore_mem>>)
        %dma_wait3A = arith.constant 0 : i32
        %dma_wait3A_39 = tpu.memref_slice %arg5[%add3A_35, %dma_wait3A] : memref<20480x128xf32, #tpu.memory_space<hbm>> -> memref<128x128xf32, #tpu.memory_space<hbm>>
        %dma_wait3A_40 = arith.constant 0 : i32
        %dma_wait3A_41 = tpu.memref_slice %arg9[%add3A_27, %dma_wait3A_40] : memref<10240x128xf32, #tpu.memory_space<vmem_shared>> -> memref<128x128xf32, #tpu.memory_space<vmem_shared>>
        tpu.wait_dma2 semaphore(%run_scoped3A : memref<!tpu.dma_semaphore, #tpu.memory_space<semaphore_mem>>) src(%dma_wait3A_41 : memref<128x128xf32, #tpu.memory_space<vmem_shared>>) dst(%dma_wait3A_39 : memref<128x128xf32, #tpu.memory_space<hbm>>)
        tpu.yield
      }) : () -> ()
    }
    %scan3A_19 = arith.constant 5 : i32
    return
  }
}

#map = affine_map<(d0, d1) -> (0, 0)>
#map1 = affine_map<(d0, d1) -> (0, 0, 0)>
module attributes {stable_mosaic.version = 14 : i64} {
  func.func @_agg_body(%arg0: i32, %arg1: i32, %arg2: memref<20480x128xf32, #tpu.memory_space<hbm>>, %arg3: memref<2x2528x128xi32, #tpu.memory_space<hbm>>, %arg4: memref<2528x128xi32, #tpu.memory_space<hbm>>, %arg5: memref<20480x128xf32, #tpu.memory_space<hbm>>, %arg6: memref<1x128xi32, #tpu.memory_space<vmem>>, %arg7: memref<1x128xi32, #tpu.memory_space<vmem>>, %arg8: memref<128x128xf32, #tpu.memory_space<vmem>>, %arg9: memref<10240x128xf32, #tpu.memory_space<vmem_shared>>) attributes {dimension_semantics = [#tpu.dimension_semantics<core_parallel>, #tpu.dimension_semantics<subcore_parallel>], iteration_bounds = array<i64: 2, 16>, scalar_prefetch = 0 : i64, scratch_operands = 4 : i64, tpu.core_type = #tpu.core_type<sc_vector_subcore>, window_params = [{transform_indices = #map}, {transform_indices = #map1}, {transform_indices = #map}, {transform_indices = #map}]} {
    %scan3A = arith.constant 0 : i32
    %scan3A_0 = arith.constant 128 : i32
    %scan3A_1 = arith.addi %scan3A, %scan3A_0 : i32
    %scan3A_2 = arith.constant 1 : i32
    scf.for %scan3A_20 = %scan3A to %scan3A_1 step %scan3A_2  : i32 {
      %mul3A = arith.constant 1 : i32
      %mul3A_21 = arith.muli %scan3A_20, %mul3A : i32
      %add3A = arith.constant 0 : i32
      %add3A_22 = arith.addi %add3A, %mul3A_21 : i32
      %scan3A_23 = arith.constant 0 : i32
      %scan3A_24 = arith.constant 8 : i32
      %scan3A_25 = arith.addi %scan3A_23, %scan3A_24 : i32
      %scan3A_26 = arith.constant 1 : i32
      scf.for %scan3A_28 = %scan3A_23 to %scan3A_25 step %scan3A_26  : i32 {
        %mul3A_29 = arith.constant 1 : i32
        %mul3A_30 = arith.muli %scan3A_28, %mul3A_29 : i32
        %add3A_31 = arith.constant 0 : i32
        %add3A_32 = arith.addi %add3A_31, %mul3A_30 : i32
        %broadcast_in_dim3A = arith.constant 0.000000e+00 : f32
        %broadcast_in_dim3A_33 = vector.broadcast %broadcast_in_dim3A : f32 to vector<16xf32>
        %mul3A_34 = arith.constant 16 : i32
        %mul3A_35 = arith.muli %add3A_32, %mul3A_34 : i32
        %swap3A = arith.index_cast %add3A_22 : i32 to index
        %swap3A_36 = arith.index_cast %mul3A_35 : i32 to index
        %swap3A_37 = tpu.vector_load %arg8[%swap3A, %swap3A_36] {strides = array<i32>} : memref<128x128xf32, #tpu.memory_space<vmem>>, vector<1x16xf32>,
        %swap3A_38 = vector.shape_cast %swap3A_37 : vector<1x16xf32> to vector<16xf32>
        %swap3A_39 = vector.shape_cast %broadcast_in_dim3A_33 : vector<16xf32> to vector<1x16xf32>
        tpu.vector_store %arg8[%swap3A, %swap3A_36], %swap3A_39 {strides = array<i32>} : memref<128x128xf32, #tpu.memory_space<vmem>>, vector<1x16xf32>,
      }
      %scan3A_27 = arith.constant 8 : i32
    }
    %scan3A_3 = arith.constant 128 : i32
    %scan3A_4 = arith.constant 0 : i32
    %scan3A_5 = arith.constant 5 : i32
    %scan3A_6 = arith.addi %scan3A_4, %scan3A_5 : i32
    %scan3A_7 = arith.constant 1 : i32
    scf.for %scan3A_20 = %scan3A_4 to %scan3A_6 step %scan3A_7  : i32 {
      %mul3A = arith.constant 1 : i32
      %mul3A_21 = arith.muli %scan3A_20, %mul3A : i32
      %add3A = arith.constant 0 : i32
      %add3A_22 = arith.addi %add3A, %mul3A_21 : i32
      %mul3A_23 = arith.constant 640 : i32
      %mul3A_24 = arith.muli %arg1, %mul3A_23 : i32
      %mul3A_25 = arith.constant 128 : i32
      %mul3A_26 = arith.muli %add3A_22, %mul3A_25 : i32
      %add3A_27 = arith.addi %mul3A_24, %mul3A_26 : i32
      "tpu.region"() ({
        %run_scoped3A = tpu.sem_alloc : memref<!tpu.dma_semaphore, #tpu.memory_space<semaphore_mem>>
        %dma_start3A = arith.constant 0 : i32
        %dma_start3A_28 = tpu.memref_slice %arg9[%add3A_27, %dma_start3A] : memref<10240x128xf32, #tpu.memory_space<vmem_shared>> -> memref<128x128xf32, #tpu.memory_space<vmem_shared>>
        %dma_start3A_29 = arith.constant 0 : i32
        %dma_start3A_30 = tpu.memref_slice %arg9[%add3A_27, %dma_start3A_29] : memref<10240x128xf32, #tpu.memory_space<vmem_shared>> -> memref<128x128xf32, #tpu.memory_space<vmem_shared>>
        tpu.enqueue_dma source(%arg8 : memref<128x128xf32, #tpu.memory_space<vmem>>) target(%dma_start3A_30 : memref<128x128xf32, #tpu.memory_space<vmem_shared>>) target_semaphore(%run_scoped3A : memref<!tpu.dma_semaphore, #tpu.memory_space<semaphore_mem>>)
        %dma_wait3A = arith.constant 0 : i32
        %dma_wait3A_31 = tpu.memref_slice %arg9[%add3A_27, %dma_wait3A] : memref<10240x128xf32, #tpu.memory_space<vmem_shared>> -> memref<128x128xf32, #tpu.memory_space<vmem_shared>>
        %dma_wait3A_32 = arith.constant 0 : i32
        %dma_wait3A_33 = tpu.memref_slice %arg9[%add3A_27, %dma_wait3A_32] : memref<10240x128xf32, #tpu.memory_space<vmem_shared>> -> memref<128x128xf32, #tpu.memory_space<vmem_shared>>
        tpu.wait_dma2 semaphore(%run_scoped3A : memref<!tpu.dma_semaphore, #tpu.memory_space<semaphore_mem>>) src(%arg8 : memref<128x128xf32, #tpu.memory_space<vmem>>) dst(%dma_wait3A_33 : memref<128x128xf32, #tpu.memory_space<vmem_shared>>)
        tpu.yield
      }) : () -> ()
    }
    %scan3A_8 = arith.constant 5 : i32
    %barrier3A = arith.constant 0 : index
    tpu.barrier barrier_id(%barrier3A)
    %scan3A_9 = arith.constant 0 : i32
    %scan3A_10 = arith.constant 158 : i32
    %scan3A_11 = arith.addi %scan3A_9, %scan3A_10 : i32
    %scan3A_12 = arith.constant 1 : i32
    scf.for %scan3A_20 = %scan3A_9 to %scan3A_11 step %scan3A_12  : i32 {
      %mul3A = arith.constant 1 : i32
      %mul3A_21 = arith.muli %scan3A_20, %mul3A : i32
      %add3A = arith.constant 0 : i32
      %add3A_22 = arith.addi %add3A, %mul3A_21 : i32
      %mul3A_23 = arith.constant 158 : i32
      %mul3A_24 = arith.muli %arg1, %mul3A_23 : i32
      %add3A_25 = arith.addi %mul3A_24, %add3A_22 : i32
      %run_scoped3A = arith.constant 0 : i32
      "tpu.region"() ({
        %run_scoped3A_29 = tpu.sem_alloc : memref<!tpu.dma_semaphore, #tpu.memory_space<semaphore_mem>>
        %dma_start3A = arith.constant 0 : i32
        %dma_start3A_30 = tpu.memref_slice %arg6[%run_scoped3A, %dma_start3A] : memref<1x128xi32, #tpu.memory_space<vmem>> -> memref<1x128xi32, #tpu.memory_space<vmem>>
        %dma_start3A_31 = tpu.memref_squeeze %dma_start3A_30 : memref<1x128xi32, #tpu.memory_space<vmem>> -> memref<128xi32, #tpu.memory_space<vmem>>
        %dma_start3A_32 = arith.constant 0 : i32
        %dma_start3A_33 = tpu.memref_slice %arg3[%arg0, %add3A_25, %dma_start3A_32] : memref<2x2528x128xi32, #tpu.memory_space<hbm>> -> memref<1x1x128xi32, #tpu.memory_space<hbm>>
        %dma_start3A_34 = tpu.memref_squeeze %dma_start3A_33 : memref<1x1x128xi32, #tpu.memory_space<hbm>> -> memref<128xi32, #tpu.memory_space<hbm>>
        %dma_start3A_35 = arith.constant 0 : i32
        %dma_start3A_36 = tpu.memref_slice %arg6[%run_scoped3A, %dma_start3A_35] : memref<1x128xi32, #tpu.memory_space<vmem>> -> memref<1x128xi32, #tpu.memory_space<vmem>>
        %dma_start3A_37 = tpu.memref_squeeze %dma_start3A_36 : memref<1x128xi32, #tpu.memory_space<vmem>> -> memref<128xi32, #tpu.memory_space<vmem>>
        %dma_start3A_38 = arith.constant 0 : i32
        %dma_start3A_39 = tpu.memref_slice %arg3[%arg0, %add3A_25, %dma_start3A_38] : memref<2x2528x128xi32, #tpu.memory_space<hbm>> -> memref<1x1x128xi32, #tpu.memory_space<hbm>>
        %dma_start3A_40 = tpu.memref_squeeze %dma_start3A_39 : memref<1x1x128xi32, #tpu.memory_space<hbm>> -> memref<128xi32, #tpu.memory_space<hbm>>
        tpu.enqueue_dma source(%dma_start3A_40 : memref<128xi32, #tpu.memory_space<hbm>>) target(%dma_start3A_37 : memref<128xi32, #tpu.memory_space<vmem>>) target_semaphore(%run_scoped3A_29 : memref<!tpu.dma_semaphore, #tpu.memory_space<semaphore_mem>>)
        %dma_wait3A = arith.constant 0 : i32
        %dma_wait3A_41 = tpu.memref_slice %arg6[%run_scoped3A, %dma_wait3A] : memref<1x128xi32, #tpu.memory_space<vmem>> -> memref<1x128xi32, #tpu.memory_space<vmem>>
        %dma_wait3A_42 = tpu.memref_squeeze %dma_wait3A_41 : memref<1x128xi32, #tpu.memory_space<vmem>> -> memref<128xi32, #tpu.memory_space<vmem>>
        %dma_wait3A_43 = arith.constant 0 : i32
        %dma_wait3A_44 = tpu.memref_slice %arg3[%arg0, %add3A_25, %dma_wait3A_43] : memref<2x2528x128xi32, #tpu.memory_space<hbm>> -> memref<1x1x128xi32, #tpu.memory_space<hbm>>
        %dma_wait3A_45 = tpu.memref_squeeze %dma_wait3A_44 : memref<1x1x128xi32, #tpu.memory_space<hbm>> -> memref<128xi32, #tpu.memory_space<hbm>>
        %dma_wait3A_46 = arith.constant 0 : i32
        %dma_wait3A_47 = tpu.memref_slice %arg6[%run_scoped3A, %dma_wait3A_46] : memref<1x128xi32, #tpu.memory_space<vmem>> -> memref<1x128xi32, #tpu.memory_space<vmem>>
        %dma_wait3A_48 = tpu.memref_squeeze %dma_wait3A_47 : memref<1x128xi32, #tpu.memory_space<vmem>> -> memref<128xi32, #tpu.memory_space<vmem>>
        %dma_wait3A_49 = arith.constant 0 : i32
        %dma_wait3A_50 = tpu.memref_slice %arg3[%arg0, %add3A_25, %dma_wait3A_49] : memref<2x2528x128xi32, #tpu.memory_space<hbm>> -> memref<1x1x128xi32, #tpu.memory_space<hbm>>
        %dma_wait3A_51 = tpu.memref_squeeze %dma_wait3A_50 : memref<1x1x128xi32, #tpu.memory_space<hbm>> -> memref<128xi32, #tpu.memory_space<hbm>>
        tpu.wait_dma2 semaphore(%run_scoped3A_29 : memref<!tpu.dma_semaphore, #tpu.memory_space<semaphore_mem>>) src(%dma_wait3A_51 : memref<128xi32, #tpu.memory_space<hbm>>) dst(%dma_wait3A_48 : memref<128xi32, #tpu.memory_space<vmem>>)
        tpu.yield
      }) : () -> ()
      %run_scoped3A_26 = arith.constant 0 : i32
      "tpu.region"() ({
        %run_scoped3A_29 = tpu.sem_alloc : memref<!tpu.dma_semaphore, #tpu.memory_space<semaphore_mem>>
        %dma_start3A = arith.constant 0 : i32
        %dma_start3A_30 = tpu.memref_slice %arg7[%run_scoped3A_26, %dma_start3A] : memref<1x128xi32, #tpu.memory_space<vmem>> -> memref<1x128xi32, #tpu.memory_space<vmem>>
        %dma_start3A_31 = tpu.memref_squeeze %dma_start3A_30 : memref<1x128xi32, #tpu.memory_space<vmem>> -> memref<128xi32, #tpu.memory_space<vmem>>
        %dma_start3A_32 = arith.constant 0 : i32
        %dma_start3A_33 = tpu.memref_slice %arg4[%add3A_25, %dma_start3A_32] : memref<2528x128xi32, #tpu.memory_space<hbm>> -> memref<1x128xi32, #tpu.memory_space<hbm>>
        %dma_start3A_34 = tpu.memref_squeeze %dma_start3A_33 : memref<1x128xi32, #tpu.memory_space<hbm>> -> memref<128xi32, #tpu.memory_space<hbm>>
        %dma_start3A_35 = arith.constant 0 : i32
        %dma_start3A_36 = tpu.memref_slice %arg7[%run_scoped3A_26, %dma_start3A_35] : memref<1x128xi32, #tpu.memory_space<vmem>> -> memref<1x128xi32, #tpu.memory_space<vmem>>
        %dma_start3A_37 = tpu.memref_squeeze %dma_start3A_36 : memref<1x128xi32, #tpu.memory_space<vmem>> -> memref<128xi32, #tpu.memory_space<vmem>>
        %dma_start3A_38 = arith.constant 0 : i32
        %dma_start3A_39 = tpu.memref_slice %arg4[%add3A_25, %dma_start3A_38] : memref<2528x128xi32, #tpu.memory_space<hbm>> -> memref<1x128xi32, #tpu.memory_space<hbm>>
        %dma_start3A_40 = tpu.memref_squeeze %dma_start3A_39 : memref<1x128xi32, #tpu.memory_space<hbm>> -> memref<128xi32, #tpu.memory_space<hbm>>
        tpu.enqueue_dma source(%dma_start3A_40 : memref<128xi32, #tpu.memory_space<hbm>>) target(%dma_start3A_37 : memref<128xi32, #tpu.memory_space<vmem>>) target_semaphore(%run_scoped3A_29 : memref<!tpu.dma_semaphore, #tpu.memory_space<semaphore_mem>>)
        %dma_wait3A = arith.constant 0 : i32
        %dma_wait3A_41 = tpu.memref_slice %arg7[%run_scoped3A_26, %dma_wait3A] : memref<1x128xi32, #tpu.memory_space<vmem>> -> memref<1x128xi32, #tpu.memory_space<vmem>>
        %dma_wait3A_42 = tpu.memref_squeeze %dma_wait3A_41 : memref<1x128xi32, #tpu.memory_space<vmem>> -> memref<128xi32, #tpu.memory_space<vmem>>
        %dma_wait3A_43 = arith.constant 0 : i32
        %dma_wait3A_44 = tpu.memref_slice %arg4[%add3A_25, %dma_wait3A_43] : memref<2528x128xi32, #tpu.memory_space<hbm>> -> memref<1x128xi32, #tpu.memory_space<hbm>>
        %dma_wait3A_45 = tpu.memref_squeeze %dma_wait3A_44 : memref<1x128xi32, #tpu.memory_space<hbm>> -> memref<128xi32, #tpu.memory_space<hbm>>
        %dma_wait3A_46 = arith.constant 0 : i32
        %dma_wait3A_47 = tpu.memref_slice %arg7[%run_scoped3A_26, %dma_wait3A_46] : memref<1x128xi32, #tpu.memory_space<vmem>> -> memref<1x128xi32, #tpu.memory_space<vmem>>
        %dma_wait3A_48 = tpu.memref_squeeze %dma_wait3A_47 : memref<1x128xi32, #tpu.memory_space<vmem>> -> memref<128xi32, #tpu.memory_space<vmem>>
        %dma_wait3A_49 = arith.constant 0 : i32
        %dma_wait3A_50 = tpu.memref_slice %arg4[%add3A_25, %dma_wait3A_49] : memref<2528x128xi32, #tpu.memory_space<hbm>> -> memref<1x128xi32, #tpu.memory_space<hbm>>
        %dma_wait3A_51 = tpu.memref_squeeze %dma_wait3A_50 : memref<1x128xi32, #tpu.memory_space<hbm>> -> memref<128xi32, #tpu.memory_space<hbm>>
        tpu.wait_dma2 semaphore(%run_scoped3A_29 : memref<!tpu.dma_semaphore, #tpu.memory_space<semaphore_mem>>) src(%dma_wait3A_51 : memref<128xi32, #tpu.memory_space<hbm>>) dst(%dma_wait3A_48 : memref<128xi32, #tpu.memory_space<vmem>>)
        tpu.yield
      }) : () -> ()
      %run_scoped3A_27 = arith.constant 0 : i32
      "tpu.region"() ({
        %run_scoped3A_29 = tpu.sem_alloc : memref<!tpu.dma_semaphore, #tpu.memory_space<semaphore_mem>>
        %dma_start3A = arith.constant 0 : i32
        %dma_start3A_30 = tpu.memref_slice %arg6[%run_scoped3A_27, %dma_start3A] : memref<1x128xi32, #tpu.memory_space<vmem>> -> memref<1x128xi32, #tpu.memory_space<vmem>>
        %dma_start3A_31 = tpu.memref_squeeze %dma_start3A_30 : memref<1x128xi32, #tpu.memory_space<vmem>> -> memref<128xi32, #tpu.memory_space<vmem>>
        %dma_start3A_32 = arith.constant 0 : i32
        %dma_start3A_33 = arith.constant 0 : i32
        %dma_start3A_34 = tpu.memref_slice %arg2[%dma_start3A_32, %dma_start3A_33] : memref<20480x128xf32, #tpu.memory_space<hbm>> -> memref<20480x128xf32, #tpu.memory_space<hbm>>
        tpu.enqueue_indirect_dma source(%dma_start3A_34 : memref<20480x128xf32, #tpu.memory_space<hbm>>) target(%arg8 : memref<128x128xf32, #tpu.memory_space<vmem>>) offsets(%dma_start3A_31 : memref<128xi32, #tpu.memory_space<vmem>>) semaphore(%run_scoped3A_29 : memref<!tpu.dma_semaphore, #tpu.memory_space<semaphore_mem>>)
        %dma_wait3A = arith.constant 0 : i32
        %dma_wait3A_35 = tpu.memref_slice %arg6[%run_scoped3A_27, %dma_wait3A] : memref<1x128xi32, #tpu.memory_space<vmem>> -> memref<1x128xi32, #tpu.memory_space<vmem>>
        %dma_wait3A_36 = tpu.memref_squeeze %dma_wait3A_35 : memref<1x128xi32, #tpu.memory_space<vmem>> -> memref<128xi32, #tpu.memory_space<vmem>>
        %dma_wait3A_37 = arith.constant 0 : i32
        %dma_wait3A_38 = arith.constant 0 : i32
        %dma_wait3A_39 = tpu.memref_slice %arg2[%dma_wait3A_37, %dma_wait3A_38] : memref<20480x128xf32, #tpu.memory_space<hbm>> -> memref<20480x128xf32, #tpu.memory_space<hbm>>
        tpu.wait_indirect_dma semaphore(%run_scoped3A_29 : memref<!tpu.dma_semaphore, #tpu.memory_space<semaphore_mem>>) src(%dma_wait3A_39 : memref<20480x128xf32, #tpu.memory_space<hbm>>) dst(%arg8 : memref<128x128xf32, #tpu.memory_space<vmem>>)
        tpu.yield
      }) : () -> ()
      %run_scoped3A_28 = arith.constant 0 : i32
      "tpu.region"() ({
        %run_scoped3A_29 = tpu.sem_alloc : memref<!tpu.dma_semaphore, #tpu.memory_space<semaphore_mem>>
        %dma_start3A = arith.constant 0 : i32
        %dma_start3A_30 = tpu.memref_slice %arg7[%run_scoped3A_28, %dma_start3A] : memref<1x128xi32, #tpu.memory_space<vmem>> -> memref<1x128xi32, #tpu.memory_space<vmem>>
        %dma_start3A_31 = tpu.memref_squeeze %dma_start3A_30 : memref<1x128xi32, #tpu.memory_space<vmem>> -> memref<128xi32, #tpu.memory_space<vmem>>
        %dma_start3A_32 = arith.constant 0 : i32
        %dma_start3A_33 = arith.constant 0 : i32
        %dma_start3A_34 = tpu.memref_slice %arg9[%dma_start3A_32, %dma_start3A_33] : memref<10240x128xf32, #tpu.memory_space<vmem_shared>> -> memref<10240x128xf32, #tpu.memory_space<vmem_shared>>
        tpu.enqueue_indirect_dma source(%arg8 : memref<128x128xf32, #tpu.memory_space<vmem>>) target(%dma_start3A_34 : memref<10240x128xf32, #tpu.memory_space<vmem_shared>>) offsets(%dma_start3A_31 : memref<128xi32, #tpu.memory_space<vmem>>) semaphore(%run_scoped3A_29 : memref<!tpu.dma_semaphore, #tpu.memory_space<semaphore_mem>>) {add = true}
        %dma_wait3A = arith.constant 0 : i32
        %dma_wait3A_35 = tpu.memref_slice %arg7[%run_scoped3A_28, %dma_wait3A] : memref<1x128xi32, #tpu.memory_space<vmem>> -> memref<1x128xi32, #tpu.memory_space<vmem>>
        %dma_wait3A_36 = tpu.memref_squeeze %dma_wait3A_35 : memref<1x128xi32, #tpu.memory_space<vmem>> -> memref<128xi32, #tpu.memory_space<vmem>>
        %dma_wait3A_37 = arith.constant 0 : i32
        %dma_wait3A_38 = arith.constant 0 : i32
        %dma_wait3A_39 = tpu.memref_slice %arg9[%dma_wait3A_37, %dma_wait3A_38] : memref<10240x128xf32, #tpu.memory_space<vmem_shared>> -> memref<10240x128xf32, #tpu.memory_space<vmem_shared>>
        tpu.wait_indirect_dma semaphore(%run_scoped3A_29 : memref<!tpu.dma_semaphore, #tpu.memory_space<semaphore_mem>>) src(%arg8 : memref<128x128xf32, #tpu.memory_space<vmem>>) dst(%dma_wait3A_39 : memref<10240x128xf32, #tpu.memory_space<vmem_shared>>)
        tpu.yield
      }) : () -> ()
    }
    %scan3A_13 = arith.constant 158 : i32
    %barrier3A_14 = arith.constant 0 : index
    tpu.barrier barrier_id(%barrier3A_14)
    %scan3A_15 = arith.constant 0 : i32
    %scan3A_16 = arith.constant 5 : i32
    %scan3A_17 = arith.addi %scan3A_15, %scan3A_16 : i32
    %scan3A_18 = arith.constant 1 : i32
    scf.for %scan3A_20 = %scan3A_15 to %scan3A_17 step %scan3A_18  : i32 {
      %mul3A = arith.constant 1 : i32
      %mul3A_21 = arith.muli %scan3A_20, %mul3A : i32
      %add3A = arith.constant 0 : i32
      %add3A_22 = arith.addi %add3A, %mul3A_21 : i32
      %mul3A_23 = arith.constant 640 : i32
      %mul3A_24 = arith.muli %arg1, %mul3A_23 : i32
      %mul3A_25 = arith.constant 128 : i32
      %mul3A_26 = arith.muli %add3A_22, %mul3A_25 : i32
      %add3A_27 = arith.addi %mul3A_24, %mul3A_26 : i32
      %mul3A_28 = arith.constant 10240 : i32
      %mul3A_29 = arith.muli %arg0, %mul3A_28 : i32
      %mul3A_30 = arith.constant 640 : i32
      %mul3A_31 = arith.muli %arg1, %mul3A_30 : i32
      %add3A_32 = arith.addi %mul3A_29, %mul3A_31 : i32
      %mul3A_33 = arith.constant 128 : i32
      %mul3A_34 = arith.muli %add3A_22, %mul3A_33 : i32
      %add3A_35 = arith.addi %add3A_32, %mul3A_34 : i32
      "tpu.region"() ({
        %run_scoped3A = tpu.sem_alloc : memref<!tpu.dma_semaphore, #tpu.memory_space<semaphore_mem>>
        %dma_start3A = arith.constant 0 : i32
        %dma_start3A_36 = tpu.memref_slice %arg5[%add3A_35, %dma_start3A] : memref<20480x128xf32, #tpu.memory_space<hbm>> -> memref<128x128xf32, #tpu.memory_space<hbm>>
        %dma_start3A_37 = arith.constant 0 : i32
        %dma_start3A_38 = tpu.memref_slice %arg9[%add3A_27, %dma_start3A_37] : memref<10240x128xf32, #tpu.memory_space<vmem_shared>> -> memref<128x128xf32, #tpu.memory_space<vmem_shared>>
        tpu.enqueue_dma source(%dma_start3A_38 : memref<128x128xf32, #tpu.memory_space<vmem_shared>>) target(%dma_start3A_36 : memref<128x128xf32, #tpu.memory_space<hbm>>) target_semaphore(%run_scoped3A : memref<!tpu.dma_semaphore, #tpu.memory_space<semaphore_mem>>)
        %dma_wait3A = arith.constant 0 : i32
        %dma_wait3A_39 = tpu.memref_slice %arg5[%add3A_35, %dma_wait3A] : memref<20480x128xf32, #tpu.memory_space<hbm>> -> memref<128x128xf32, #tpu.memory_space<hbm>>
        %dma_wait3A_40 = arith.constant 0 : i32
        %dma_wait3A_41 = tpu.memref_slice %arg9[%add3A_27, %dma_wait3A_40] : memref<10240x128xf32, #tpu.memory_space<vmem_shared>> -> memref<128x128xf32, #tpu.memory_space<vmem_shared>>
        tpu.wait_dma2 semaphore(%run_scoped3A : memref<!tpu.dma_semaphore, #tpu.memory_space<semaphore_mem>>) src(%dma_wait3A_41 : memref<128x128xf32, #tpu.memory_space<vmem_shared>>) dst(%dma_wait3A_39 : memref<128x128xf32, #tpu.memory_space<hbm>>)
        tpu.yield
      }) : () -> ()
    }
    %scan3A_19 = arith.constant 5 : i32
    return
  }
}

module attributes {stable_mosaic.version = 14 : i64} {
  func.func @_tc1_body(%arg0: i32, %arg1: memref<2x1024x16xf32, #tpu.memory_space<vmem>>, %arg2: memref<1024x128xf32, #tpu.memory_space<vmem>>, %arg3: memref<1024x128xf32, #tpu.memory_space<vmem>>, %arg4: memref<1024x1xf32, #tpu.memory_space<vmem>>, %arg5: memref<1024x128xf32, #tpu.memory_space<vmem>>, %arg6: memref<1024x128xf32, #tpu.memory_space<vmem>>) attributes {dimension_semantics = [#tpu.dimension_semantics<arbitrary>], iteration_bounds = array<i64: 10>, scalar_prefetch = 0 : i64, scratch_operands = 0 : i64, tpu.core_type = #tpu.core_type<tc>, window_params = [{transform_indices = @transform_0, window_bounds = array<i64: 2, 1024, 16>}, {transform_indices = @transform_1, window_bounds = array<i64: 1024, 128>}, {transform_indices = @transform_2, window_bounds = array<i64: 1024, 128>}, {transform_indices = @transform_3, window_bounds = array<i64: 1024, 1>}, {transform_indices = @transform_4, window_bounds = array<i64: 1024, 128>}, {transform_indices = @transform_5, window_bounds = array<i64: 1024, 128>}]} {
    %get3A = arith.constant 0 : index
    %get3A_0 = arith.constant 0 : index
    %get3A_1 = arith.constant 0 : index
    %get3A_2 = vector.load %arg1[%get3A, %get3A_0, %get3A_1] : memref<2x1024x16xf32, #tpu.memory_space<vmem>>, vector<1x1024x1xf32>
    %get3A_3 = vector.shape_cast %get3A_2 : vector<1x1024x1xf32> to vector<1024x1xf32>
    %get3A_4 = arith.constant 1 : index
    %get3A_5 = arith.constant 0 : index
    %get3A_6 = arith.constant 0 : index
    %get3A_7 = vector.load %arg1[%get3A_4, %get3A_5, %get3A_6] : memref<2x1024x16xf32, #tpu.memory_space<vmem>>, vector<1x1024x1xf32>
    %get3A_8 = vector.shape_cast %get3A_7 : vector<1x1024x1xf32> to vector<1024x1xf32>
    %add3A = arith.addf %get3A_3, %get3A_8 : vector<1024x1xf32>
    %add3A_9 = arith.constant 1.000000e+00 : f32
    %add3A_10 = vector.broadcast %add3A_9 : f32 to vector<1024x1xf32>
    %add3A_11 = arith.addf %add3A, %add3A_10 : vector<1024x1xf32>
    %rsqrt3A = math.rsqrt %add3A_11 : vector<1024x1xf32>
    %swap3A = arith.constant 0 : index
    %swap3A_12 = arith.constant 0 : index
    %swap3A_13 = vector.load %arg4[%swap3A, %swap3A_12] : memref<1024x1xf32, #tpu.memory_space<vmem>>, vector<1024x1xf32>
    tpu.vector_store %arg4[%swap3A, %swap3A_12], %rsqrt3A {strides = array<i32>} : memref<1024x1xf32, #tpu.memory_space<vmem>>, vector<1024x1xf32>,
    %get3A_14 = arith.constant 0 : index
    %get3A_15 = arith.constant 0 : index
    %get3A_16 = vector.load %arg2[%get3A_14, %get3A_15] : memref<1024x128xf32, #tpu.memory_space<vmem>>, vector<1024x128xf32>
    %mul3A = vector.broadcast %rsqrt3A : vector<1024x1xf32> to vector<1024x128xf32>
    %mul3A_17 = arith.mulf %get3A_16, %mul3A : vector<1024x128xf32>
    %swap3A_18 = arith.constant 0 : index
    %swap3A_19 = arith.constant 0 : index
    %swap3A_20 = vector.load %arg5[%swap3A_18, %swap3A_19] : memref<1024x128xf32, #tpu.memory_space<vmem>>, vector<1024x128xf32>
    tpu.vector_store %arg5[%swap3A_18, %swap3A_19], %mul3A_17 {strides = array<i32>} : memref<1024x128xf32, #tpu.memory_space<vmem>>, vector<1024x128xf32>,
    %get3A_21 = arith.constant 0 : index
    %get3A_22 = arith.constant 0 : index
    %get3A_23 = vector.load %arg3[%get3A_21, %get3A_22] : memref<1024x128xf32, #tpu.memory_space<vmem>>, vector<1024x128xf32>
    %mul3A_24 = vector.broadcast %rsqrt3A : vector<1024x1xf32> to vector<1024x128xf32>
    %mul3A_25 = arith.mulf %get3A_23, %mul3A_24 : vector<1024x128xf32>
    %swap3A_26 = arith.constant 0 : index
    %swap3A_27 = arith.constant 0 : index
    %swap3A_28 = vector.load %arg6[%swap3A_26, %swap3A_27] : memref<1024x128xf32, #tpu.memory_space<vmem>>, vector<1024x128xf32>
    tpu.vector_store %arg6[%swap3A_26, %swap3A_27], %mul3A_25 {strides = array<i32>} : memref<1024x128xf32, #tpu.memory_space<vmem>>, vector<1024x128xf32>,
    return
  }
  func.func @transform_0(%arg0: i32) -> (i32, i32, i32) {
    %c0_i32 = arith.constant 0 : i32
    %c0_i32_0 = arith.constant 0 : i32
    %c0_i32_1 = arith.constant 0 : i32
    return %c0_i32, %arg0, %c0_i32_0 : i32, i32, i32
  }
  func.func @transform_1(%arg0: i32) -> (i32, i32) {
    %c0_i32 = arith.constant 0 : i32
    %c0_i32_0 = arith.constant 0 : i32
    return %arg0, %c0_i32 : i32, i32
  }
  func.func @transform_2(%arg0: i32) -> (i32, i32) {
    %c0_i32 = arith.constant 0 : i32
    %c0_i32_0 = arith.constant 0 : i32
    return %arg0, %c0_i32 : i32, i32
  }
  func.func @transform_3(%arg0: i32) -> (i32, i32) {
    %c0_i32 = arith.constant 0 : i32
    %c0_i32_0 = arith.constant 0 : i32
    return %arg0, %c0_i32 : i32, i32
  }
  func.func @transform_4(%arg0: i32) -> (i32, i32) {
    %c0_i32 = arith.constant 0 : i32
    %c0_i32_0 = arith.constant 0 : i32
    return %arg0, %c0_i32 : i32, i32
  }
  func.func @transform_5(%arg0: i32) -> (i32, i32) {
    %c0_i32 = arith.constant 0 : i32
    %c0_i32_0 = arith.constant 0 : i32
    return %arg0, %c0_i32 : i32, i32
  }
}

module attributes {stable_mosaic.version = 14 : i64} {
  func.func @_tc2_body(%arg0: i32, %arg1: i32, %arg2: memref<1024x1xf32, #tpu.memory_space<vmem>>, %arg3: memref<1x1024x128xf32, #tpu.memory_space<vmem>>, %arg4: memref<1x1024x128xf32, #tpu.memory_space<vmem>>, %arg5: memref<1x128x128xf32, #tpu.memory_space<vmem>>, %arg6: memref<1x1x128xf32, #tpu.memory_space<vmem>>, %arg7: memref<1x1x128xf32, #tpu.memory_space<vmem>>, %arg8: memref<1x1024x128xf32, #tpu.memory_space<vmem>>) attributes {dimension_semantics = [#tpu.dimension_semantics<arbitrary>, #tpu.dimension_semantics<arbitrary>], iteration_bounds = array<i64: 2, 10>, scalar_prefetch = 0 : i64, scratch_operands = 0 : i64, tpu.core_type = #tpu.core_type<tc>, window_params = [{transform_indices = @transform_0, window_bounds = array<i64: 1024, 1>}, {transform_indices = @transform_1, window_bounds = array<i64: 1, 1024, 128>}, {transform_indices = @transform_2, window_bounds = array<i64: 1, 1024, 128>}, {transform_indices = @transform_3, window_bounds = array<i64: 1, 128, 128>}, {transform_indices = @transform_4, window_bounds = array<i64: 1, 1, 128>}, {transform_indices = @transform_5, window_bounds = array<i64: 1, 1, 128>}, {transform_indices = @transform_6, window_bounds = array<i64: 1, 1024, 128>}]} {
    %get3A = arith.constant 0 : index
    %get3A_0 = arith.constant 0 : index
    %get3A_1 = vector.load %arg2[%get3A, %get3A_0] : memref<1024x1xf32, #tpu.memory_space<vmem>>, vector<1024x1xf32>
    %get3A_2 = arith.constant 0 : index
    %get3A_3 = arith.constant 0 : index
    %get3A_4 = arith.constant 0 : index
    %get3A_5 = vector.load %arg3[%get3A_2, %get3A_3, %get3A_4] : memref<1x1024x128xf32, #tpu.memory_space<vmem>>, vector<1x1024x128xf32>
    %get3A_6 = vector.shape_cast %get3A_5 : vector<1x1024x128xf32> to vector<1024x128xf32>
    %get3A_7 = arith.constant 0 : index
    %get3A_8 = arith.constant 0 : index
    %get3A_9 = arith.constant 0 : index
    %get3A_10 = vector.load %arg4[%get3A_7, %get3A_8, %get3A_9] : memref<1x1024x128xf32, #tpu.memory_space<vmem>>, vector<1x1024x128xf32>
    %get3A_11 = vector.shape_cast %get3A_10 : vector<1x1024x128xf32> to vector<1024x128xf32>
    %add3A = arith.addf %get3A_6, %get3A_11 : vector<1024x128xf32>
    %mul3A = vector.broadcast %get3A_1 : vector<1024x1xf32> to vector<1024x128xf32>
    %mul3A_12 = arith.mulf %mul3A, %add3A : vector<1024x128xf32>
    %get3A_13 = arith.constant 0 : index
    %get3A_14 = arith.constant 0 : index
    %get3A_15 = arith.constant 0 : index
    %get3A_16 = vector.load %arg5[%get3A_13, %get3A_14, %get3A_15] : memref<1x128x128xf32, #tpu.memory_space<vmem>>, vector<1x128x128xf32>
    %get3A_17 = vector.shape_cast %get3A_16 : vector<1x128x128xf32> to vector<128x128xf32>
    %dot_general3A = arith.constant dense<0.000000e+00> : vector<1024x128xf32>
    %dot_general3A_18 = tpu.matmul %mul3A_12, %get3A_17, %dot_general3A {dimension_numbers = #tpu.dot_dimension_numbers<[1], [0], [0], [1], [0, 0, 1, 1], [], []>, transpose_lhs_hint = false} : vector<1024x128xf32>, vector<128x128xf32>, vector<1024x128xf32> -> vector<1024x128xf32>
    %get3A_19 = arith.constant 0 : index
    %get3A_20 = arith.constant 0 : index
    %get3A_21 = arith.constant 0 : index
    %get3A_22 = vector.load %arg6[%get3A_19, %get3A_20, %get3A_21] : memref<1x1x128xf32, #tpu.memory_space<vmem>>, vector<1x1x128xf32>
    %get3A_23 = vector.shape_cast %get3A_22 : vector<1x1x128xf32> to vector<1x128xf32>
    %add3A_24 = vector.broadcast %get3A_23 : vector<1x128xf32> to vector<1024x128xf32>
    %add3A_25 = arith.addf %dot_general3A_18, %add3A_24 : vector<1024x128xf32>
    %max3A = arith.constant 0.000000e+00 : f32
    %max3A_26 = vector.broadcast %max3A : f32 to vector<1024x128xf32>
    %max3A_27 = arith.maximumf %add3A_25, %max3A_26 : vector<1024x128xf32>
    %get3A_28 = arith.constant 0 : index
    %get3A_29 = arith.constant 0 : index
    %get3A_30 = arith.constant 0 : index
    %get3A_31 = vector.load %arg7[%get3A_28, %get3A_29, %get3A_30] : memref<1x1x128xf32, #tpu.memory_space<vmem>>, vector<1x1x128xf32>
    %get3A_32 = vector.shape_cast %get3A_31 : vector<1x1x128xf32> to vector<1x128xf32>
    %min3A = arith.constant 0.000000e+00 : f32
    %min3A_33 = vector.broadcast %min3A : f32 to vector<1024x128xf32>
    %min3A_34 = arith.minimumf %add3A_25, %min3A_33 : vector<1024x128xf32>
    %mul3A_35 = vector.broadcast %get3A_32 : vector<1x128xf32> to vector<1024x128xf32>
    %mul3A_36 = arith.mulf %mul3A_35, %min3A_34 : vector<1024x128xf32>
    %add3A_37 = arith.addf %max3A_27, %mul3A_36 : vector<1024x128xf32>
    %mul3A_38 = vector.broadcast %get3A_1 : vector<1024x1xf32> to vector<1024x128xf32>
    %mul3A_39 = arith.mulf %mul3A_38, %add3A_37 : vector<1024x128xf32>
    %swap3A = arith.constant 0 : index
    %swap3A_40 = arith.constant 0 : index
    %swap3A_41 = arith.constant 0 : index
    %swap3A_42 = vector.load %arg8[%swap3A, %swap3A_40, %swap3A_41] : memref<1x1024x128xf32, #tpu.memory_space<vmem>>, vector<1x1024x128xf32>
    %swap3A_43 = vector.shape_cast %swap3A_42 : vector<1x1024x128xf32> to vector<1024x128xf32>
    %swap3A_44 = vector.shape_cast %mul3A_39 : vector<1024x128xf32> to vector<1x1024x128xf32>
    tpu.vector_store %arg8[%swap3A, %swap3A_40, %swap3A_41], %swap3A_44 {strides = array<i32>} : memref<1x1024x128xf32, #tpu.memory_space<vmem>>, vector<1x1024x128xf32>,
    return
  }
  func.func @transform_0(%arg0: i32, %arg1: i32) -> (i32, i32) {
    %c0_i32 = arith.constant 0 : i32
    %c0_i32_0 = arith.constant 0 : i32
    return %arg1, %c0_i32 : i32, i32
  }
  func.func @transform_1(%arg0: i32, %arg1: i32) -> (i32, i32, i32) {
    %c0_i32 = arith.constant 0 : i32
    %c0_i32_0 = arith.constant 0 : i32
    return %arg0, %arg1, %c0_i32 : i32, i32, i32
  }
  func.func @transform_2(%arg0: i32, %arg1: i32) -> (i32, i32, i32) {
    %c0_i32 = arith.constant 0 : i32
    %c0_i32_0 = arith.constant 0 : i32
    return %arg0, %arg1, %c0_i32 : i32, i32, i32
  }
  func.func @transform_3(%arg0: i32, %arg1: i32) -> (i32, i32, i32) {
    %c0_i32 = arith.constant 0 : i32
    %c0_i32_0 = arith.constant 0 : i32
    %c0_i32_1 = arith.constant 0 : i32
    return %arg0, %c0_i32, %c0_i32_0 : i32, i32, i32
  }
  func.func @transform_4(%arg0: i32, %arg1: i32) -> (i32, i32, i32) {
    %c0_i32 = arith.constant 0 : i32
    %c0_i32_0 = arith.constant 0 : i32
    %c0_i32_1 = arith.constant 0 : i32
    return %arg0, %c0_i32, %c0_i32_0 : i32, i32, i32
  }
  func.func @transform_5(%arg0: i32, %arg1: i32) -> (i32, i32, i32) {
    %c0_i32 = arith.constant 0 : i32
    %c0_i32_0 = arith.constant 0 : i32
    %c0_i32_1 = arith.constant 0 : i32
    return %arg0, %c0_i32, %c0_i32_0 : i32, i32, i32
  }
  func.func @transform_6(%arg0: i32, %arg1: i32) -> (i32, i32, i32) {
    %c0_i32 = arith.constant 0 : i32
    %c0_i32_0 = arith.constant 0 : i32
    return %arg0, %arg1, %c0_i32 : i32, i32, i32
  }
}

module attributes {stable_mosaic.version = 14 : i64} {
  func.func @_tc3_body(%arg0: i32, %arg1: memref<1024x1xf32, #tpu.memory_space<vmem>>, %arg2: memref<2x1024x128xf32, #tpu.memory_space<vmem>>, %arg3: memref<2x1024x128xf32, #tpu.memory_space<vmem>>, %arg4: memref<2x128x128xf32, #tpu.memory_space<vmem>>, %arg5: memref<2x1x128xf32, #tpu.memory_space<vmem>>, %arg6: memref<2x1x128xf32, #tpu.memory_space<vmem>>, %arg7: memref<1x128xf32, #tpu.memory_space<vmem>>, %arg8: memref<1024x128xf32, #tpu.memory_space<vmem>>) attributes {dimension_semantics = [#tpu.dimension_semantics<arbitrary>], iteration_bounds = array<i64: 10>, scalar_prefetch = 0 : i64, scratch_operands = 0 : i64, tpu.core_type = #tpu.core_type<tc>, window_params = [{transform_indices = @transform_0, window_bounds = array<i64: 1024, 1>}, {transform_indices = @transform_1, window_bounds = array<i64: 2, 1024, 128>}, {transform_indices = @transform_2, window_bounds = array<i64: 2, 1024, 128>}, {pipeline_mode = #tpu.pipeline_mode<synchronous>, transform_indices = @transform_3, window_bounds = array<i64: 2, 128, 128>}, {pipeline_mode = #tpu.pipeline_mode<synchronous>, transform_indices = @transform_4, window_bounds = array<i64: 2, 1, 128>}, {pipeline_mode = #tpu.pipeline_mode<synchronous>, transform_indices = @transform_5, window_bounds = array<i64: 2, 1, 128>}, {pipeline_mode = #tpu.pipeline_mode<synchronous>, transform_indices = @transform_6, window_bounds = array<i64: 1, 128>}, {transform_indices = @transform_7, window_bounds = array<i64: 1024, 128>}]} {
    %get3A = arith.constant 0 : index
    %get3A_0 = arith.constant 0 : index
    %get3A_1 = vector.load %arg1[%get3A, %get3A_0] : memref<1024x1xf32, #tpu.memory_space<vmem>>, vector<1024x1xf32>
    %get3A_2 = arith.constant 0 : index
    %get3A_3 = arith.constant 0 : index
    %get3A_4 = arith.constant 0 : index
    %get3A_5 = vector.load %arg2[%get3A_2, %get3A_3, %get3A_4] : memref<2x1024x128xf32, #tpu.memory_space<vmem>>, vector<1x1024x128xf32>
    %get3A_6 = vector.shape_cast %get3A_5 : vector<1x1024x128xf32> to vector<1024x128xf32>
    %get3A_7 = arith.constant 0 : index
    %get3A_8 = arith.constant 0 : index
    %get3A_9 = arith.constant 0 : index
    %get3A_10 = vector.load %arg3[%get3A_7, %get3A_8, %get3A_9] : memref<2x1024x128xf32, #tpu.memory_space<vmem>>, vector<1x1024x128xf32>
    %get3A_11 = vector.shape_cast %get3A_10 : vector<1x1024x128xf32> to vector<1024x128xf32>
    %add3A = arith.addf %get3A_6, %get3A_11 : vector<1024x128xf32>
    %mul3A = vector.broadcast %get3A_1 : vector<1024x1xf32> to vector<1024x128xf32>
    %mul3A_12 = arith.mulf %mul3A, %add3A : vector<1024x128xf32>
    %get3A_13 = arith.constant 0 : index
    %get3A_14 = arith.constant 0 : index
    %get3A_15 = arith.constant 0 : index
    %get3A_16 = vector.load %arg4[%get3A_13, %get3A_14, %get3A_15] : memref<2x128x128xf32, #tpu.memory_space<vmem>>, vector<1x128x128xf32>
    %get3A_17 = vector.shape_cast %get3A_16 : vector<1x128x128xf32> to vector<128x128xf32>
    %dot_general3A = arith.constant dense<0.000000e+00> : vector<1024x128xf32>
    %dot_general3A_18 = tpu.matmul %mul3A_12, %get3A_17, %dot_general3A {dimension_numbers = #tpu.dot_dimension_numbers<[1], [0], [0], [1], [0, 0, 1, 1], [], []>, transpose_lhs_hint = false} : vector<1024x128xf32>, vector<128x128xf32>, vector<1024x128xf32> -> vector<1024x128xf32>
    %get3A_19 = arith.constant 0 : index
    %get3A_20 = arith.constant 0 : index
    %get3A_21 = arith.constant 0 : index
    %get3A_22 = vector.load %arg5[%get3A_19, %get3A_20, %get3A_21] : memref<2x1x128xf32, #tpu.memory_space<vmem>>, vector<1x1x128xf32>
    %get3A_23 = vector.shape_cast %get3A_22 : vector<1x1x128xf32> to vector<1x128xf32>
    %add3A_24 = vector.broadcast %get3A_23 : vector<1x128xf32> to vector<1024x128xf32>
    %add3A_25 = arith.addf %dot_general3A_18, %add3A_24 : vector<1024x128xf32>
    %max3A = arith.constant 0.000000e+00 : f32
    %max3A_26 = vector.broadcast %max3A : f32 to vector<1024x128xf32>
    %max3A_27 = arith.maximumf %add3A_25, %max3A_26 : vector<1024x128xf32>
    %get3A_28 = arith.constant 0 : index
    %get3A_29 = arith.constant 0 : index
    %get3A_30 = arith.constant 0 : index
    %get3A_31 = vector.load %arg6[%get3A_28, %get3A_29, %get3A_30] : memref<2x1x128xf32, #tpu.memory_space<vmem>>, vector<1x1x128xf32>
    %get3A_32 = vector.shape_cast %get3A_31 : vector<1x1x128xf32> to vector<1x128xf32>
    %min3A = arith.constant 0.000000e+00 : f32
    %min3A_33 = vector.broadcast %min3A : f32 to vector<1024x128xf32>
    %min3A_34 = arith.minimumf %add3A_25, %min3A_33 : vector<1024x128xf32>
    %mul3A_35 = vector.broadcast %get3A_32 : vector<1x128xf32> to vector<1024x128xf32>
    %mul3A_36 = arith.mulf %mul3A_35, %min3A_34 : vector<1024x128xf32>
    %add3A_37 = arith.addf %max3A_27, %mul3A_36 : vector<1024x128xf32>
    %mul3A_38 = arith.mulf %add3A_37, %add3A_37 : vector<1024x128xf32>
    %reduce_sum3A = arith.constant dense<0.000000e+00> : vector<1024xf32>
    %reduce_sum3A_39 = vector.multi_reduction <add>, %mul3A_38, %reduce_sum3A [1] : vector<1024x128xf32> to vector<1024xf32>
    %broadcast_in_dim3A = vector.shape_cast %reduce_sum3A_39 : vector<1024xf32> to vector<1024x1xf32>
    %sqrt3A = math.sqrt %broadcast_in_dim3A : vector<1024x1xf32>
    %max3A_40 = arith.constant 9.99999996E-13 : f32
    %max3A_41 = vector.broadcast %max3A_40 : f32 to vector<1024x1xf32>
    %max3A_42 = arith.maximumf %sqrt3A, %max3A_41 : vector<1024x1xf32>
    %div3A = vector.broadcast %max3A_42 : vector<1024x1xf32> to vector<1024x128xf32>
    %div3A_43 = arith.divf %add3A_37, %div3A : vector<1024x128xf32>
    %get3A_44 = arith.constant 1 : index
    %get3A_45 = arith.constant 0 : index
    %get3A_46 = arith.constant 0 : index
    %get3A_47 = vector.load %arg2[%get3A_44, %get3A_45, %get3A_46] : memref<2x1024x128xf32, #tpu.memory_space<vmem>>, vector<1x1024x128xf32>
    %get3A_48 = vector.shape_cast %get3A_47 : vector<1x1024x128xf32> to vector<1024x128xf32>
    %get3A_49 = arith.constant 1 : index
    %get3A_50 = arith.constant 0 : index
    %get3A_51 = arith.constant 0 : index
    %get3A_52 = vector.load %arg3[%get3A_49, %get3A_50, %get3A_51] : memref<2x1024x128xf32, #tpu.memory_space<vmem>>, vector<1x1024x128xf32>
    %get3A_53 = vector.shape_cast %get3A_52 : vector<1x1024x128xf32> to vector<1024x128xf32>
    %add3A_54 = arith.addf %get3A_48, %get3A_53 : vector<1024x128xf32>
    %mul3A_55 = vector.broadcast %get3A_1 : vector<1024x1xf32> to vector<1024x128xf32>
    %mul3A_56 = arith.mulf %mul3A_55, %add3A_54 : vector<1024x128xf32>
    %get3A_57 = arith.constant 1 : index
    %get3A_58 = arith.constant 0 : index
    %get3A_59 = arith.constant 0 : index
    %get3A_60 = vector.load %arg4[%get3A_57, %get3A_58, %get3A_59] : memref<2x128x128xf32, #tpu.memory_space<vmem>>, vector<1x128x128xf32>
    %get3A_61 = vector.shape_cast %get3A_60 : vector<1x128x128xf32> to vector<128x128xf32>
    %dot_general3A_62 = arith.constant dense<0.000000e+00> : vector<1024x128xf32>
    %dot_general3A_63 = tpu.matmul %mul3A_56, %get3A_61, %dot_general3A_62 {dimension_numbers = #tpu.dot_dimension_numbers<[1], [0], [0], [1], [0, 0, 1, 1], [], []>, transpose_lhs_hint = false} : vector<1024x128xf32>, vector<128x128xf32>, vector<1024x128xf32> -> vector<1024x128xf32>
    %get3A_64 = arith.constant 1 : index
    %get3A_65 = arith.constant 0 : index
    %get3A_66 = arith.constant 0 : index
    %get3A_67 = vector.load %arg5[%get3A_64, %get3A_65, %get3A_66] : memref<2x1x128xf32, #tpu.memory_space<vmem>>, vector<1x1x128xf32>
    %get3A_68 = vector.shape_cast %get3A_67 : vector<1x1x128xf32> to vector<1x128xf32>
    %add3A_69 = vector.broadcast %get3A_68 : vector<1x128xf32> to vector<1024x128xf32>
    %add3A_70 = arith.addf %dot_general3A_63, %add3A_69 : vector<1024x128xf32>
    %max3A_71 = arith.constant 0.000000e+00 : f32
    %max3A_72 = vector.broadcast %max3A_71 : f32 to vector<1024x128xf32>
    %max3A_73 = arith.maximumf %add3A_70, %max3A_72 : vector<1024x128xf32>
    %get3A_74 = arith.constant 1 : index
    %get3A_75 = arith.constant 0 : index
    %get3A_76 = arith.constant 0 : index
    %get3A_77 = vector.load %arg6[%get3A_74, %get3A_75, %get3A_76] : memref<2x1x128xf32, #tpu.memory_space<vmem>>, vector<1x1x128xf32>
    %get3A_78 = vector.shape_cast %get3A_77 : vector<1x1x128xf32> to vector<1x128xf32>
    %min3A_79 = arith.constant 0.000000e+00 : f32
    %min3A_80 = vector.broadcast %min3A_79 : f32 to vector<1024x128xf32>
    %min3A_81 = arith.minimumf %add3A_70, %min3A_80 : vector<1024x128xf32>
    %mul3A_82 = vector.broadcast %get3A_78 : vector<1x128xf32> to vector<1024x128xf32>
    %mul3A_83 = arith.mulf %mul3A_82, %min3A_81 : vector<1024x128xf32>
    %add3A_84 = arith.addf %max3A_73, %mul3A_83 : vector<1024x128xf32>
    %mul3A_85 = arith.mulf %add3A_84, %add3A_84 : vector<1024x128xf32>
    %reduce_sum3A_86 = arith.constant dense<0.000000e+00> : vector<1024xf32>
    %reduce_sum3A_87 = vector.multi_reduction <add>, %mul3A_85, %reduce_sum3A_86 [1] : vector<1024x128xf32> to vector<1024xf32>
    %broadcast_in_dim3A_88 = vector.shape_cast %reduce_sum3A_87 : vector<1024xf32> to vector<1024x1xf32>
    %sqrt3A_89 = math.sqrt %broadcast_in_dim3A_88 : vector<1024x1xf32>
    %max3A_90 = arith.constant 9.99999996E-13 : f32
    %max3A_91 = vector.broadcast %max3A_90 : f32 to vector<1024x1xf32>
    %max3A_92 = arith.maximumf %sqrt3A_89, %max3A_91 : vector<1024x1xf32>
    %div3A_93 = vector.broadcast %max3A_92 : vector<1024x1xf32> to vector<1024x128xf32>
    %div3A_94 = arith.divf %add3A_84, %div3A_93 : vector<1024x128xf32>
    %get3A_95 = arith.constant 0 : index
    %get3A_96 = arith.constant 0 : index
    %get3A_97 = vector.load %arg7[%get3A_95, %get3A_96] : memref<1x128xf32, #tpu.memory_space<vmem>>, vector<1x1xf32>
    %get3A_98 = vector.extract %get3A_97[0, 0] : f32 from vector<1x1xf32>
    %get3A_99 = arith.constant 0 : index
    %get3A_100 = arith.constant 0 : index
    %get3A_101 = vector.load %arg7[%get3A_99, %get3A_100] : memref<1x128xf32, #tpu.memory_space<vmem>>, vector<1x1xf32>
    %get3A_102 = vector.extract %get3A_101[0, 0] : f32 from vector<1x1xf32>
    %get3A_103 = arith.constant 0 : index
    %get3A_104 = arith.constant 1 : index
    %get3A_105 = vector.load %arg7[%get3A_103, %get3A_104] : memref<1x128xf32, #tpu.memory_space<vmem>>, vector<1x1xf32>
    %get3A_106 = vector.extract %get3A_105[0, 0] : f32 from vector<1x1xf32>
    %max3A_107 = arith.maximumf %get3A_102, %get3A_106 : f32
    %sub3A = arith.subf %get3A_98, %max3A_107 : f32
    %exp3A = math.exp %sub3A : f32
    %get3A_108 = arith.constant 0 : index
    %get3A_109 = arith.constant 1 : index
    %get3A_110 = vector.load %arg7[%get3A_108, %get3A_109] : memref<1x128xf32, #tpu.memory_space<vmem>>, vector<1x1xf32>
    %get3A_111 = vector.extract %get3A_110[0, 0] : f32 from vector<1x1xf32>
    %get3A_112 = arith.constant 0 : index
    %get3A_113 = arith.constant 0 : index
    %get3A_114 = vector.load %arg7[%get3A_112, %get3A_113] : memref<1x128xf32, #tpu.memory_space<vmem>>, vector<1x1xf32>
    %get3A_115 = vector.extract %get3A_114[0, 0] : f32 from vector<1x1xf32>
    %get3A_116 = arith.constant 0 : index
    %get3A_117 = arith.constant 1 : index
    %get3A_118 = vector.load %arg7[%get3A_116, %get3A_117] : memref<1x128xf32, #tpu.memory_space<vmem>>, vector<1x1xf32>
    %get3A_119 = vector.extract %get3A_118[0, 0] : f32 from vector<1x1xf32>
    %max3A_120 = arith.maximumf %get3A_115, %get3A_119 : f32
    %sub3A_121 = arith.subf %get3A_111, %max3A_120 : f32
    %exp3A_122 = math.exp %sub3A_121 : f32
    %add3A_123 = arith.addf %exp3A, %exp3A_122 : f32
    %div3A_124 = arith.divf %exp3A, %add3A_123 : f32
    %mul3A_125 = vector.broadcast %div3A_124 : f32 to vector<1024x128xf32>
    %mul3A_126 = arith.mulf %div3A_43, %mul3A_125 : vector<1024x128xf32>
    %sub3A_127 = arith.constant 1.000000e+00 : f32
    %sub3A_128 = arith.subf %sub3A_127, %div3A_124 : f32
    %mul3A_129 = vector.broadcast %sub3A_128 : f32 to vector<1024x128xf32>
    %mul3A_130 = arith.mulf %div3A_94, %mul3A_129 : vector<1024x128xf32>
    %add3A_131 = arith.addf %mul3A_126, %mul3A_130 : vector<1024x128xf32>
    %swap3A = arith.constant 0 : index
    %swap3A_132 = arith.constant 0 : index
    %swap3A_133 = vector.load %arg8[%swap3A, %swap3A_132] : memref<1024x128xf32, #tpu.memory_space<vmem>>, vector<1024x128xf32>
    tpu.vector_store %arg8[%swap3A, %swap3A_132], %add3A_131 {strides = array<i32>} : memref<1024x128xf32, #tpu.memory_space<vmem>>, vector<1024x128xf32>,
    return
  }
  func.func @transform_0(%arg0: i32) -> (i32, i32) {
    %c0_i32 = arith.constant 0 : i32
    %c0_i32_0 = arith.constant 0 : i32
    return %arg0, %c0_i32 : i32, i32
  }
  func.func @transform_1(%arg0: i32) -> (i32, i32, i32) {
    %c0_i32 = arith.constant 0 : i32
    %c0_i32_0 = arith.constant 0 : i32
    %c0_i32_1 = arith.constant 0 : i32
    return %c0_i32, %arg0, %c0_i32_0 : i32, i32, i32
  }
  func.func @transform_2(%arg0: i32) -> (i32, i32, i32) {
    %c0_i32 = arith.constant 0 : i32
    %c0_i32_0 = arith.constant 0 : i32
    %c0_i32_1 = arith.constant 0 : i32
    return %c0_i32, %arg0, %c0_i32_0 : i32, i32, i32
  }
  func.func @transform_3(%arg0: i32) -> (i32, i32, i32) {
    %c0_i32 = arith.constant 0 : i32
    %c0_i32_0 = arith.constant 0 : i32
    %c0_i32_1 = arith.constant 0 : i32
    %c0_i32_2 = arith.constant 0 : i32
    return %c0_i32, %c0_i32_0, %c0_i32_1 : i32, i32, i32
  }
  func.func @transform_4(%arg0: i32) -> (i32, i32, i32) {
    %c0_i32 = arith.constant 0 : i32
    %c0_i32_0 = arith.constant 0 : i32
    %c0_i32_1 = arith.constant 0 : i32
    %c0_i32_2 = arith.constant 0 : i32
    return %c0_i32, %c0_i32_0, %c0_i32_1 : i32, i32, i32
  }
  func.func @transform_5(%arg0: i32) -> (i32, i32, i32) {
    %c0_i32 = arith.constant 0 : i32
    %c0_i32_0 = arith.constant 0 : i32
    %c0_i32_1 = arith.constant 0 : i32
    %c0_i32_2 = arith.constant 0 : i32
    return %c0_i32, %c0_i32_0, %c0_i32_1 : i32, i32, i32
  }
  func.func @transform_6(%arg0: i32) -> (i32, i32) {
    %c0_i32 = arith.constant 0 : i32
    %c0_i32_0 = arith.constant 0 : i32
    %c0_i32_1 = arith.constant 0 : i32
    return %c0_i32, %c0_i32_0 : i32, i32
  }
  func.func @transform_7(%arg0: i32) -> (i32, i32) {
    %c0_i32 = arith.constant 0 : i32
    %c0_i32_0 = arith.constant 0 : i32
    return %arg0, %c0_i32 : i32, i32
  }
}

</mosaic_0001>

<sc_bundles>
// kernel: kernel.11.cloned.1.call-start
scs
__scs_entry_jumppad:
0x0: {  	(pc) =	sbr.rel $0x88, $3  }
0x1: {  	(tag) =	ssettag $0x0;
	lr =	simm.s32 $0x1  }
0x2: {  	[smem:$0x3F91] =	sst lr;
	_ =	strace $0xD0000000  }
0x3: {  	_ = 	snop  }
0x4: {  	_ = 	snop  }
0x5: {  	_ = 	snop  }
0x6: {  	_ = 	snop  }
0x7: {  	_ = 	snop  }
__scs_overlays_trampoline_lowered:
0x8: {  	[smem:$0x3FA0] =	sst s0  }
0x9: {  	[smem:$0x3FA1] =	sst s1  }
0xa: {  	[smem:$0x3FA2] =	sst s2  }
0xb: {  	[smem:$0x3FA3] =	sst s3  }
0xc: {  	[smem:$0x3FA4] =	sst s4  }
0xd: {  	[smem:$0x3FA5] =	sst s5  }
0xe: {  	[smem:$0x3FA6] =	sst s6  }
0xf: {  	[smem:$0x3FA7] =	sst s7  }
0x10: {  	[smem:$0x3FA8] =	sst s8  }
0x11: {  	[smem:$0x3FA9] =	sst s9;
	s0 =	simm.s32 @!p0 $0x0  }
0x12: {  	s1 =	sld [smem:$0x3F8F];
	s0 =	simm.s32 @p0 $0x1  }
0x13: {  	[smem:$0x3FAA] =	sst s0;
	s0 =	simm.s32 @!p1 $0x0  }
0x14: {  	s2 =	sld [smem:$0x3F8E];
	s0 =	simm.s32 @p1 $0x1  }
0x15: {  	[smem:$0x3FAB] =	sst s0;
	s0 =	simm.s32 @!p2 $0x0  }
0x16: {  	s3 =	sld [smem:$0x3FDB];
	s0 =	simm.s32 @p2 $0x1  }
0x17: {  	s4 =	simm.s32 $0x1BF5;
	[smem:$0x3FAD] =	sst s0  }
0x18: {  	s0 =	sld [smem:$0x3F90];
	_ =	swait.ge [sflag:s4], $0x0  }
0x19: {  	s7 =	sld [smem:$0x3F91]  }
0x1a: {  	s8 =	sadd.s32 $0xFFFFE003, lr  }
0x1b: {  	s9 =	sadd.s32 $0xFFFFFEF7, lr;
	s5 =	simm.s32 $0xFFFFFFFF;
	p2 =	slt.u32 s8, $0xFFFFF086  }
0x1c: {  	p1 =	slt.u32 s9, $0xF7A;
	s5 =	simm.s32 @!p2 $0x0  }
0x1d: {  	s5 =	simm.s32 @p1 $0x1;
	p0 =	seq.s32 s7, s2  }
0x1e: {  	s7 =	smul.u32 @!p0 $0xF7A, s2;
	p2 =	seq.s32 @!p0 s5, $0x0  }
0x1f: {  	s9 =	smul.u32 $0xF7A, s1;
	s8 =	simm.s32 @!p0 $0x1BF5;
	p2 =	por !p2, p0  }
0x20: {  	[sflag:s8] =	ssyncset.s32 @!p0 $0xFFFFF086;
	s6 =	sadd.s32 @!p0 s3, s7;
	s7 =	simm.s32 @!p0 $0x108  }
0x21: {  	s3 =	sadd.s32 s3, s9;
	s6 =	sadd.s32 @!p0 $0x88, s6;
	s7 =	simm.s32 @p2 $0x1082  }
0x22: {  	[simem:s7], [sflag:s8] =	dma.local @!p0 [hbm:s6], $0xF7A  }
0x23: {  	s9 =	sor.u32 $0xD0000000, s2;
	s6 =	simm.s32 $0x108;
	_ =	swait.ge @!p0 [sflag:s8], $0x0  }
0x24: {  	s3 =	sadd.s32 $0x88, s3;
	s6 =	simm.s32 @!p1 $0x1082;
	[sflag:s4] =	ssyncset.s32 $0xFFFFF086  }
0x25: {  	[simem:s6], [sflag:s4] =	dma.local [hbm:s3], $0xF7A  }
0x26: {  	[smem:$0x3F91] =	sst s1;
	(tag) =	ssettag s2;
	_ =	strace s9  }
0x27: {  	s1 =	sld [smem:$0x3FA1]  }
0x28: {  	s2 =	sld [smem:$0x3FA2]  }
0x29: {  	s4 =	sld [smem:$0x3FA4]  }
0x2a: {  	p0 =	seq.s32 s5, $0x0;
	s5 =	sld [smem:$0x3FA5]  }
0x2b: {  	s6 =	sld [smem:$0x3FA6]  }
0x2c: {  	s7 =	sld [smem:$0x3FA7]  }
0x2d: {  	s3 =	simm.s32 $0x108;
	s8 =	sld [smem:$0x3FA8]  }
0x2e: {  	s3 =	simm.s32 @!p0 $0x1082;
	s9 =	sld [smem:$0x3FA9]  }
0x2f: {  	lr =	sadd.s32 s0, s3;
	s0 =	sld [smem:$0x3FA0]  }
0x30: {  	s3 =	sld [smem:$0x3FA3]  }
0x31: {  	[smem:$0x3FAC] =	sst s10  }
0x32: {  	s10 =	sld [smem:$0x3FAA];
	_ =	sdelay $0x3  }
0x33: {  	p0 =	seq.s32 s10, $0x1;
	s10 =	sld [smem:$0x3FAC];
	_ =	sdelay $0x3  }
0x34: {  	[smem:$0x3FAC] =	sst s10  }
0x35: {  	s10 =	sld [smem:$0x3FAB];
	_ =	sdelay $0x3  }
0x36: {  	p1 =	seq.s32 s10, $0x1;
	s10 =	sld [smem:$0x3FAC];
	_ =	sdelay $0x3  }
0x37: {  	[smem:$0x3FAC] =	sst s10  }
0x38: {  	s10 =	sld [smem:$0x3FAD]  }
0x39: {  	_ = 	snop;
	(pc) =	sbr.ind lr, $3  }
0x3a: {  	_ = 	snop  }
0x3b: {  	_ = 	snop  }
0x3c: {  	p2 =	seq.s32 s10, $0x1;
	s10 =	sld [smem:$0x3FAC]  }
0x3d: {  	_ =	shalt  }
0x3e: {  	_ =	shalt  }
0x3f: {  	_ =	shalt  }
0x40: {  	_ =	shalt  }
0x41: {  	_ =	shalt  }
0x42: {  	_ =	shalt  }
0x43: {  	_ =	shalt  }
0x44: {  	_ =	shalt  }
0x45: {  	_ =	shalt  }
0x46: {  	_ =	shalt  }
0x47: {  	_ =	shalt  }
0x48: {  	_ =	shalt  }
0x49: {  	_ =	shalt  }
0x4a: {  	_ =	shalt  }
0x4b: {  	_ =	shalt  }
0x4c: {  	_ =	shalt  }
0x4d: {  	_ =	shalt  }
0x4e: {  	_ =	shalt  }
0x4f: {  	_ =	shalt  }
0x50: {  	_ =	shalt  }
0x51: {  	_ =	shalt  }
0x52: {  	_ =	shalt  }
0x53: {  	_ =	shalt  }
0x54: {  	_ =	shalt  }
0x55: {  	_ =	shalt  }
0x56: {  	_ =	shalt  }
0x57: {  	_ =	shalt  }
0x58: {  	_ =	shalt  }
0x59: {  	_ =	shalt  }
0x5a: {  	_ =	shalt  }
0x5b: {  	_ =	shalt  }
0x5c: {  	_ =	shalt  }
0x5d: {  	_ =	shalt  }
0x5e: {  	_ =	shalt  }
0x5f: {  	_ =	shalt  }
0x60: {  	_ =	shalt  }
0x61: {  	_ =	shalt  }
0x62: {  	_ =	shalt  }
0x63: {  	_ =	shalt  }
0x64: {  	_ =	shalt  }
0x65: {  	_ =	shalt  }
0x66: {  	_ =	shalt  }
0x67: {  	_ =	shalt  }
0x68: {  	_ =	shalt  }
0x69: {  	_ =	shalt  }
0x6a: {  	_ =	shalt  }
0x6b: {  	_ =	shalt  }
0x6c: {  	_ =	shalt  }
0x6d: {  	_ =	shalt  }
0x6e: {  	_ =	shalt  }
0x6f: {  	_ =	shalt  }
0x70: {  	_ =	shalt  }
0x71: {  	_ =	shalt  }
0x72: {  	_ =	shalt  }
0x73: {  	_ =	shalt  }
0x74: {  	_ =	shalt  }
0x75: {  	_ =	shalt  }
0x76: {  	_ =	shalt  }
0x77: {  	_ =	shalt  }
0x78: {  	_ =	shalt  }
0x79: {  	_ =	shalt  }
0x7a: {  	_ =	shalt  }
0x7b: {  	_ =	shalt  }
0x7c: {  	_ =	shalt  }
0x7d: {  	_ =	shalt  }
0x7e: {  	_ =	shalt  }
0x7f: {  	_ =	shalt  }
0x80: {  	_ =	shalt  }
0x81: {  	_ =	shalt  }
0x82: {  	_ =	shalt  }
0x83: {  	_ =	shalt  }
0x84: {  	_ =	shalt  }
0x85: {  	_ =	shalt  }
0x86: {  	_ =	shalt  }
0x87: {  	_ =	shalt  }
.Lfunc_end0:
.L_simem_size_0:
called_computation.1_lowered:
.L_overlay_start_0:
0x88: {  	s2 =	sld [smem:$0x3FD9]  }
0x89: {  	s3 =	sld [smem:$0x3FFE];
	_ =	sdelay $0x1  }
0x8a: {  	s1 =	srdreg.scid  }
0x8b: {  	s0 =	sand.u32 $0x1, s1  }
0x8c: {  	s17 =	sshll.u32 s0, $0xA;
	s2 =	sadd.s32 s3, s2  }
0x8d: {  	s2 =	sadd.s32 s2, s17  }
0x8e: {  	[smem:$0x3FB8] =	sst s2  }
0x8f: {  	_ = 	snop  }
0x90: {  	s2 =	sld [smem:$0x3FD0];
	(tm) =	ssettm $0x1  }
0x91: {  	s18 =	sld [smem:$0x3FFB];
	_ =	sdelay $0x3  }
0x92: {  	_ =	strace s18  }
0x93: {  	s3 =	sld [smem:$0x3FFC];
	_ =	sdelay $0x3  }
0x94: {  	_ =	strace s3  }
0x95: {  	s3 =	sld [smem:$0x3FFD];
	_ =	sdelay $0x3  }
0x96: {  	_ =	strace s3  }
0x97: {  	_ =	strace $0x8FFFFFFF  }
0x98: {  	s19 =	sld [smem:$0x3FDB];
	_ =	sdelay $0x1  }
0x99: {  	s4 =	simm.s32 $_scs_section_size  }
0x9a: {  	s5 =	simm.s32 $_size__tile_overlayer_lowered;
	s6 =	simm.s32 $_tile_overlayer_lowered  }
0x9b: {  	s22 =	simm.s32 $0x1BFF;
	s21 =	sshll.u32 s6, $0x1;
	s3 =	sadd.s32 s4, s19  }
0x9c: {  	s7 =	simm.s32 $0x0;
	s20 =	sshll.u32 s5, $0x1;
	s5 =	sadd.s32 s21, s3  }
0x9d: {  	[timem:s7], [sflag:s22] =	dma.local [hbm:s5], s20  }
0x9e: {  	_ =	swait.ge [sflag:s22], s20  }
0x9f: {  	s4 =	ssub.s32 $0x0, s20;
	[sflag:s22] =	ssyncset.done $0x0  }
0xa0: {  	[sflag:s22] =	ssyncadd.s32 s4;
	_ =	sdelay $0x1  }
0xa1: {  	s23 =	simm.s32 $0x1B8B  }
0xa2: {  	_ =	swait.ge [sflag:s23], $0x1  }
0xa3: {  	[sflag:s23] =	ssyncset.done $0x0  }
0xa4: {  	s25 =	simm.s32 $0x1B8E;
	s24 =	sld [smem:$0x3FFE];
	[sflag:s23] =	ssyncadd.s32 $0xFFFFFFFF  }
0xa5: {  	s26 =	simm.s32 $execute0_lowered;
	[smem:$0x3FD2] =	sst s25  }
0xa6: {  	s5 =	sshll.u32 s26, $0x1;
	_ =	strace $0x80000049;
	[dreg:$0x1] =	wrdreg $0xFFFFFFFF  }
0xa7: {  	s28 =	simm.s32 $_size_execute0_lowered;
	s3 =	sadd.s32 s3, s5;
	[dreg:$0x0] =	wrdreg $0x0  }
0xa8: {  	s5 =	sshll.u32 s28, $0x1;
	[dreg:$0x2] =	wrdreg s3  }
0xa9: {  	[dreg:$0x3] =	wrdreg s5  }
0xaa: {  	[dreg:$0x4] =	wrdreg $0xC0  }
0xab: {  	_ =	task [dreg:s7], $0x5FFFF  }
0xac: {  	[dreg:$0x1] =	wrdreg $0xFFFFFFFF  }
0xad: {  	[dreg:$0x0] =	wrdreg $0x60  }
0xae: {  	[dreg:$0x2] =	wrdreg s24  }
0xaf: {  	[dreg:$0x3] =	wrdreg s2  }
0xb0: {  	[dreg:$0x4] =	wrdreg $0x41000  }
0xb1: {  	[dreg:$0x5] =	wrdreg $0x9  }
0xb2: {  	_ =	task.clear_ibuf [dreg:s7], $0x6FFFF;
	_ =	strace $0x90000049  }
0xb3: {  	s29 =	simm.s32 $0x9;
	_ =	strace $0x8000004B  }
0xb4: {  	_ =	swait.ge [sflag:s29], $0x1  }
0xb5: {  	[sflag:s29] =	ssyncadd.s32 $0xFFFFFFFF  }
0xb6: {  	_ =	strace $0x9000004B  }
0xb7: {  	_ =	sfence  }
0xb8: {  	s30 =	sld [smem:$0x0];
	_ =	sdelay $0x2  }
0xb9: {  	s31 =	sshll.u32 s1, $0xD;
	s1 =	sshrl.u32 s1, $0x2  }
0xba: {  	s3 =	sand.u32 $0x4000, s31;
	s1 =	sadd.s32 s1, s30  }
0xbb: {  	s0 =	sor.u32 s3, s0;
	s1 =	sshll.u32 s1, $0x11  }
0xbc: {  	s0 =	sor.u32 s1, s0  }
0xbd: {  	s0 =	sadd.s32 $0x8F2B, s0  }
0xbe: {  	[sflag:s0] =	ssyncadd.remote.s32 $0x1  }
0xbf: {  	_ =	sfence.sel $0xFFFF  }
0xc0: {  	[dreg:$0x0] =	wrdreg $0xFFFFFFFF;
	(pc) =	sbr.abs _section_cstart, $3  }
0xc1: {  	[dreg:$0x1] =	wrdreg $0xFFFFFFFF  }
0xc2: {  	_ =	task.clear_ibuf [dreg:s7], $0x2FFFF;
	_ =	strace $0x9FFFFFFF  }
0xc3: {  	(tm) =	ssettm $0x7FFFFFFF  }
tec
execute0_lowered:
.L_overlay_start_1:
0x0: {  	(tag) =	ssettag $0x1  }
0x1: {  	s6 =	rddreg [dreg:$0x0]  }
0x2: {  	s2 =	rddreg [dreg:$0x1]  }
0x3: {  	s3 =	rddreg [dreg:$0x2]  }
0x4: {  	s0 =	rddreg [dreg:$0x3];
	s1 =	stileid.u32  }
0x5: {  	s5 =	srdreg.scid;
	s4 =	simm.s32 $0x0;
	s8 =	smul.u32 $0x280, s1  }
0x6: {  	s20 =	simm.s32 $0x100;
	s21 =	simm.s32 $0x1;
	s10 =	smul.u32 $0x9E0, s1  }
0x7: {  	s22 =	simm.s32 $0x80;
	s23 =	simm.s32 $0x0;
	s11 =	smul.u32 $0x50000, s1  }
0x8: {  	s7 =	sand.u32 $0x1, s5;
	[smem:$0x7FF] =	sst s4;
	s19 =	smul.u32 $0x4F00, s1  }
0x9: {  	s5 =	sadd.s32 $0x17200, s6;
	s9 =	smul.u32 $0x2800, s7;
	_ =	strace $0x8000004A  }
0xa: {  	s29 =	ssub.s32 $0x2, s7;
	s7 =	smul.u32 $0x4F000, s7;
	s18 =	sadd.s32 s10, s6  }
0xb: {  	s30 =	sshrl.u32 s29, $0x1;
	s31 =	sshrl.u32 s11, $0x2;
	s8 =	sadd.s32 s9, s8  }
0xc: {  	s9 =	ssub.s32 s29, s30;
	s18 =	sadd.s32 $0xD400, s18;
	s8 =	sshll.u32 s8, $0x4  }
0xd: {  	s9 =	smax.u32 s9, $0x1;
	s17 =	sadd.s32 s8, s6;
	s6 =	sadd.s32 s31, s3  }
0xe: {  	s8 =	sadd.s32 $0x67200, s17;
	s10 =	sadd.s32 $0x4000, s6;
	s11 =	sadd.s32 $0x8000, s6  }
0xf: {  	s12 =	sadd.s32 $0xC000, s6;
	s13 =	sadd.s32 $0x10000, s6;
	s14 =	sadd.s32 $0x67A00, s17  }
0x10: {  	v0 =	vimm.f32 $0.0e+00;
	s15 =	sadd.s32 $0x68200, s17;
	s16 =	sadd.s32 $0x68A00, s17;
	s17 =	sadd.s32 $0x69200, s17  }
.LBB2_1:
0x11: {  	s24 =	simm.s32 $0x0;
	s25 =	simm.s32 $0x200  }
.LBB2_2:
0x12: {  	p0 =	sne.s32 s25, $0xFE00;
	[tilespmem:s24+$0x170] =	vst v0  }
0x13: {  	[tilespmem:s24+$0x100] =	vst v0  }
0x14: {  	[tilespmem:s24+$0x110] =	vst v0  }
.Ltmp0:
0x15: {  	[tilespmem:s24+$0x120] =	vst v0;
	(pc) =	sbr.rel @p0 .LBB2_2-.Ltmp0, $4  }
0x16: {  	[tilespmem:s24+$0x130] =	vst v0  }
0x17: {  	[tilespmem:s24+$0x140] =	vst v0  }
0x18: {  	[tilespmem:s24+$0x150] =	vst v0  }
0x19: {  	[tilespmem:s24+$0x160] =	vst v0;
	s24 =	sshra.s32 s25, $0x2;
	s25 =	sadd.s32 $0x200, s25  }
0x1a: {  	[tilespmem:s24+$0x170] =	vst v0  }
0x1b: {  	[tilespmem:s24+$0x100] =	vst v0  }
0x1c: {  	[tilespmem:s24+$0x110] =	vst v0  }
0x1d: {  	[tilespmem:s24+$0x120] =	vst v0  }
0x1e: {  	[tilespmem:s24+$0x130] =	vst v0  }
0x1f: {  	[tilespmem:s24+$0x140] =	vst v0  }
0x20: {  	[tilespmem:s24+$0x150] =	vst v0  }
0x21: {  	[tilespmem:s24+$0x160] =	vst v0  }
0x22: {  	[spmem:s6] =	stream.linear.scatter [tilespmem:s20], [sflag:$0x1], $0x4000, $0x38;
	[tilespmem:$0x18100] =	vst v63  }
0x23: {  	_ =	swait.ge [sflag:s21], $0x4000  }
0x24: {  	[sflag:s21] =	ssyncset.done $0x0  }
0x25: {  	[sflag:s21] =	ssyncadd.s32 $0xFFFFC000  }
0x26: {  	[spmem:s10] =	stream.linear.scatter [tilespmem:s20], [sflag:$0x1], $0x4000, $0x38;
	[tilespmem:$0x18100] =	vst v63  }
0x27: {  	_ =	swait.ge [sflag:s21], $0x4000  }
0x28: {  	[sflag:s21] =	ssyncset.done $0x0  }
0x29: {  	[sflag:s21] =	ssyncadd.s32 $0xFFFFC000  }
0x2a: {  	[spmem:s11] =	stream.linear.scatter [tilespmem:s20], [sflag:$0x1], $0x4000, $0x38;
	[tilespmem:$0x18100] =	vst v63  }
0x2b: {  	_ =	swait.ge [sflag:s21], $0x4000  }
0x2c: {  	[sflag:s21] =	ssyncset.done $0x0  }
0x2d: {  	[sflag:s21] =	ssyncadd.s32 $0xFFFFC000  }
0x2e: {  	[spmem:s12] =	stream.linear.scatter [tilespmem:s20], [sflag:$0x1], $0x4000, $0x38;
	[tilespmem:$0x18100] =	vst v63  }
0x2f: {  	_ =	swait.ge [sflag:s21], $0x4000  }
0x30: {  	[sflag:s21] =	ssyncset.done $0x0  }
0x31: {  	s30 =	sand.u32 $0xFFC00, s19;
	[sflag:s21] =	ssyncadd.s32 $0xFFFFC000  }
0x32: {  	[spmem:s13] =	stream.linear.scatter [tilespmem:s20], [sflag:$0x1], $0x4000, $0x38;
	[tilespmem:$0x18100] =	vst v63  }
0x33: {  	s25 =	sand.u32 $0x380, s19;
	s24 =	sadd.s32 s7, s30;
	_ =	swait.ge [sflag:s21], $0x4000  }
0x34: {  	s24 =	sor.u32 s25, s24;
	[sflag:s21] =	ssyncset.done $0x0  }
0x35: {  	s24 =	sshrl.u32 s24, $0x3;
	[sflag:s21] =	ssyncadd.s32 $0xFFFFC000  }
0x36: {  	s24 =	sadd.s32 s2, s24;
	[bflag:$0x0] =	sbarrier.arrive $0xFFFF  }
0x37: {  	[tilespmem:s4], [sflag:$0x1] =	stream.linear.gather [hbm4b:s24+s4], $0x80, $0x38;
	[tilespmem:$0x18100] =	vst v63  }
0x38: {  	_ =	swait.ge [sflag:s21], $0x80  }
0x39: {  	[sflag:s21] =	ssyncset.done $0x0  }
0x3a: {  	s31 =	sadd.s32 $0x0, s18;
	[sflag:s21] =	ssyncadd.s32 $0xFFFFFF80  }
0x3b: {  	[tilespmem:s22], [sflag:$0x1] =	stream.linear.gather [hbm4b:s31+s4], $0x80, $0x38;
	[tilespmem:$0x18100] =	vst v63  }
0x3c: {  	_ =	swait.ge [sflag:s21], $0x80  }
0x3d: {  	[sflag:s21] =	ssyncset.done $0x0  }
0x3e: {  	[sflag:s21] =	ssyncadd.s32 $0xFFFFFF80  }
0x3f: {  	[tilespmem:s20], [sflag:$0x1] =	stream.indirect.gather [hbm4b:s5+s22], $0x80, s4, s22, $0xb8;
	[tilespmem:$0x18100] =	vst v63  }
0x40: {  	_ =	swait.ge [sflag:s21], $0x4000  }
0x41: {  	s25 =	sadd.s32 $0x80, s19;
	[sflag:s21] =	ssyncset.done $0x0  }
0x42: {  	s26 =	sand.u32 $0xFFC00, s25;
	s29 =	sand.u32 $0x380, s25;
	[sflag:s21] =	ssyncadd.s32 $0xFFFFC000  }
0x43: {  	[spmem:s3] =	stream.indirect.scatter.add.f32 [tilespmem:s20], [sflag:$0x1], $0x80, s22, s22, $0xb8;
	[tilespmem:$0x18100] =	vst v63  }
0x44: {  	s28 =	sadd.s32 s7, s26;
	s26 =	simm.s32 $0x20;
	_ =	swait.ge [sflag:s21], $0x4000  }
0x45: {  	s28 =	sor.u32 s29, s28;
	s24 =	simm.s32 $0x10;
	[sflag:s21] =	ssyncset.done $0x0  }
.LBB2_4:
0x46: {  	p0 =	sne.s32 s26, $0x9D0;
	s28 =	sshrl.u32 s28, $0x3;
	[sflag:s21] =	ssyncadd.s32 $0xFFFFC000  }
0x47: {  	s29 =	smov.u32 s26;
	s26 =	sadd.s32 $0x10, s26;
	s28 =	sadd.s32 s2, s28  }
0x48: {  	[tilespmem:s4], [sflag:$0x1] =	stream.linear.gather [hbm4b:s28+s4], $0x80, $0x38;
	[tilespmem:$0x18100] =	vst v63  }
0x49: {  	_ =	swait.ge [sflag:s21], $0x80  }
0x4a: {  	[sflag:s21] =	ssyncset.done $0x0  }
0x4b: {  	s28 =	sadd.s32 s24, s18;
	s24 =	smov.u32 s29;
	[sflag:s21] =	ssyncadd.s32 $0xFFFFFF80  }
0x4c: {  	[tilespmem:s22], [sflag:$0x1] =	stream.linear.gather [hbm4b:s28+s4], $0x80, $0x38;
	[tilespmem:$0x18100] =	vst v63  }
0x4d: {  	_ =	swait.ge [sflag:s21], $0x80  }
0x4e: {  	[sflag:s21] =	ssyncset.done $0x0  }
0x4f: {  	[sflag:s21] =	ssyncadd.s32 $0xFFFFFF80  }
0x50: {  	[tilespmem:s20], [sflag:$0x1] =	stream.indirect.gather [hbm4b:s5+s22], $0x80, s4, s22, $0xb8;
	[tilespmem:$0x18100] =	vst v63  }
0x51: {  	_ =	swait.ge [sflag:s21], $0x4000  }
.Ltmp1:
0x52: {  	s25 =	sadd.s32 $0x80, s25;
	[sflag:s21] =	ssyncset.done $0x0;
	(pc) =	sbr.rel @p0 .LBB2_4-.Ltmp1, $4  }
0x53: {  	s28 =	sand.u32 $0xFFC00, s25;
	[sflag:s21] =	ssyncadd.s32 $0xFFFFC000  }
0x54: {  	[spmem:s3] =	stream.indirect.scatter.add.f32 [tilespmem:s20], [sflag:$0x1], $0x80, s22, s22, $0xb8;
	[tilespmem:$0x18100] =	vst v63  }
0x55: {  	s29 =	sand.u32 $0x380, s25;
	s28 =	sadd.s32 s7, s28;
	_ =	swait.ge [sflag:s21], $0x4000  }
0x56: {  	s28 =	sor.u32 s29, s28;
	[sflag:s21] =	ssyncset.done $0x0  }
0x57: {  	s25 =	sshrl.u32 s28, $0x3  }
0x58: {  	[sflag:s21] =	ssyncadd.s32 $0xFFFFC000;
	s25 =	sadd.s32 s2, s25  }
0x59: {  	[tilespmem:s4], [sflag:$0x1] =	stream.linear.gather [hbm4b:s25+s4], $0x80, $0x38;
	[tilespmem:$0x18100] =	vst v63  }
0x5a: {  	_ =	swait.ge [sflag:s21], $0x80  }
0x5b: {  	[sflag:s21] =	ssyncset.done $0x0  }
0x5c: {  	s24 =	sadd.s32 s24, s18;
	[sflag:s21] =	ssyncadd.s32 $0xFFFFFF80  }
0x5d: {  	[tilespmem:s22], [sflag:$0x1] =	stream.linear.gather [hbm4b:s24+s4], $0x80, $0x38;
	[tilespmem:$0x18100] =	vst v63  }
0x5e: {  	_ =	swait.ge [sflag:s21], $0x80  }
0x5f: {  	[sflag:s21] =	ssyncset.done $0x0  }
0x60: {  	[sflag:s21] =	ssyncadd.s32 $0xFFFFFF80  }
0x61: {  	[tilespmem:s20], [sflag:$0x1] =	stream.indirect.gather [hbm4b:s5+s22], $0x80, s4, s22, $0xb8;
	[tilespmem:$0x18100] =	vst v63  }
0x62: {  	_ =	swait.ge [sflag:s21], $0x4000  }
0x63: {  	[sflag:s21] =	ssyncset.done $0x0  }
0x64: {  	[sflag:s21] =	ssyncadd.s32 $0xFFFFC000  }
0x65: {  	[spmem:s3] =	stream.indirect.scatter.add.f32 [tilespmem:s20], [sflag:$0x1], $0x80, s22, s22, $0xb8;
	[tilespmem:$0x18100] =	vst v63  }
0x66: {  	_ =	swait.ge [sflag:s21], $0x4000  }
0x67: {  	[sflag:s21] =	ssyncset.done $0x0  }
0x68: {  	s25 =	sshll.u32 s1, $0x6;
	[sflag:s21] =	ssyncadd.s32 $0xFFFFC000  }
0x69: {  	s26 =	sshrl.u32 s6, $0x3;
	s24 =	sor.u32 $0x1C01, s25;
	[bflag:$0x0] =	sbarrier.arrive $0xFFFF  }
0x6a: {  	[hbm:s8], [sflag:s24] =	dma.local [spmem:s26], $0x800  }
0x6b: {  	_ =	swait.ge [sflag:s21], $0x800  }
0x6c: {  	[sflag:s21] =	ssyncset.done $0x0  }
0x6d: {  	s28 =	sshrl.u32 s10, $0x3;
	[sflag:s21] =	ssyncadd.s32 $0xFFFFF800  }
0x6e: {  	[hbm:s14], [sflag:s24] =	dma.local [spmem:s28], $0x800  }
0x6f: {  	_ =	swait.ge [sflag:s21], $0x800  }
0x70: {  	[sflag:s21] =	ssyncset.done $0x0  }
0x71: {  	s29 =	sshrl.u32 s11, $0x3;
	[sflag:s21] =	ssyncadd.s32 $0xFFFFF800  }
0x72: {  	[hbm:s15], [sflag:s24] =	dma.local [spmem:s29], $0x800  }
0x73: {  	_ =	swait.ge [sflag:s21], $0x800  }
0x74: {  	[sflag:s21] =	ssyncset.done $0x0  }
0x75: {  	s30 =	sshrl.u32 s12, $0x3;
	[sflag:s21] =	ssyncadd.s32 $0xFFFFF800  }
0x76: {  	[hbm:s16], [sflag:s24] =	dma.local [spmem:s30], $0x800  }
0x77: {  	s23 =	sadd.s32 $0x1, s23;
	_ =	swait.ge [sflag:s21], $0x800  }
0x78: {  	p0 =	sne.s32 s23, s9;
	[sflag:s21] =	ssyncset.done $0x0  }
.Ltmp2:
0x79: {  	s31 =	sshrl.u32 s13, $0x3;
	[sflag:s21] =	ssyncadd.s32 $0xFFFFF800;
	(pc) =	sbr.rel @p0 .LBB2_1-.Ltmp2, $4  }
0x7a: {  	[hbm:s17], [sflag:s24] =	dma.local [spmem:s31], $0x800  }
0x7b: {  	_ =	swait.ge [sflag:s21], $0x800  }
0x7c: {  	[sflag:s21] =	ssyncset.done $0x0  }
0x7d: {  	[sflag:s21] =	ssyncadd.s32 $0xFFFFF800  }
0x7e: {  	_ =	sfence.sel $0x180000  }
0x7f: {  	[bflag:$0x0] =	sbarrier.arrive $0xFFFF  }
0x80: {  	p0 =	sne.s32 s1, $0x0;
	_ =	strace $0x9000004A  }
0x81: {  	s0 =	sadd.s32 @!p0 $0x100000, s0;
	[bflag:$0x2] =	sbarrier.arrive $0xFFFF  }
0x82: {  	[sflag:s0] =	ssyncadd.tile.s32 @!p0 $0x1;
	_ =	shalt  }
.Lfunc_end2:
_tile_overlayer_lowered:
.L_overlay_start_2:
0x83: {  	(tag) =	ssettag $0x2  }
0x84: {  	s0 =	rddreg [dreg:$0x0];
	s2 =	stileid.u32  }
0x85: {  	s1 =	rddreg [dreg:$0x1];
	p0 =	sne.s32 s2, $0x0  }
0x86: {  	s3 =	rddreg [dreg:$0x2];
	[bflag:$0x3] =	sbarrier.arrive $0xFFFF;
	s2 =	simm.s32 @!p0 $0x1C01  }
0x87: {  	[timem:s3], [sflag:s2] =	dma.local @!p0 [hbm:s0], s1  }
0x88: {  	s0 =	simm.s32 @!p0 $0x1  }
0x89: {  	_ =	swait.ge @!p0 [sflag:s0], s1  }
0x8a: {  	s1 =	ssub.s32 @!p0 $0x0, s1;
	[sflag:s0] =	ssyncset.done @!p0 $0x0  }
0x8b: {  	[sflag:s0] =	ssyncadd.s32 @!p0 s1  }
0x8c: {  	[bflag:$0x3] =	sbarrier.arrive $0xFFFF  }
0x8d: {  	_ =	shalt  }

// kernel: kernel.14.cloned.1.call-start
scs
__scs_entry_jumppad:
0x0: {  	(pc) =	sbr.rel $0x88, $3  }
0x1: {  	(tag) =	ssettag $0x0;
	lr =	simm.s32 $0x1  }
0x2: {  	[smem:$0x3F91] =	sst lr;
	_ =	strace $0xD0000000  }
0x3: {  	_ = 	snop  }
0x4: {  	_ = 	snop  }
0x5: {  	_ = 	snop  }
0x6: {  	_ = 	snop  }
0x7: {  	_ = 	snop  }
__scs_overlays_trampoline_lowered:
0x8: {  	[smem:$0x3FA0] =	sst s0  }
0x9: {  	[smem:$0x3FA1] =	sst s1  }
0xa: {  	[smem:$0x3FA2] =	sst s2  }
0xb: {  	[smem:$0x3FA3] =	sst s3  }
0xc: {  	[smem:$0x3FA4] =	sst s4  }
0xd: {  	[smem:$0x3FA5] =	sst s5  }
0xe: {  	[smem:$0x3FA6] =	sst s6  }
0xf: {  	[smem:$0x3FA7] =	sst s7  }
0x10: {  	[smem:$0x3FA8] =	sst s8  }
0x11: {  	[smem:$0x3FA9] =	sst s9;
	s0 =	simm.s32 @!p0 $0x0  }
0x12: {  	s1 =	sld [smem:$0x3F8F];
	s0 =	simm.s32 @p0 $0x1  }
0x13: {  	[smem:$0x3FAA] =	sst s0;
	s0 =	simm.s32 @!p1 $0x0  }
0x14: {  	s2 =	sld [smem:$0x3F8E];
	s0 =	simm.s32 @p1 $0x1  }
0x15: {  	[smem:$0x3FAB] =	sst s0;
	s0 =	simm.s32 @!p2 $0x0  }
0x16: {  	s3 =	sld [smem:$0x3FDB];
	s0 =	simm.s32 @p2 $0x1  }
0x17: {  	s4 =	simm.s32 $0x1BF5;
	[smem:$0x3FAD] =	sst s0  }
0x18: {  	s0 =	sld [smem:$0x3F90];
	_ =	swait.ge [sflag:s4], $0x0  }
0x19: {  	s7 =	sld [smem:$0x3F91]  }
0x1a: {  	s8 =	sadd.s32 $0xFFFFE003, lr  }
0x1b: {  	s9 =	sadd.s32 $0xFFFFFEF7, lr;
	s5 =	simm.s32 $0xFFFFFFFF;
	p2 =	slt.u32 s8, $0xFFFFF086  }
0x1c: {  	p1 =	slt.u32 s9, $0xF7A;
	s5 =	simm.s32 @!p2 $0x0  }
0x1d: {  	s5 =	simm.s32 @p1 $0x1;
	p0 =	seq.s32 s7, s2  }
0x1e: {  	s7 =	smul.u32 @!p0 $0xF7A, s2;
	p2 =	seq.s32 @!p0 s5, $0x0  }
0x1f: {  	s9 =	smul.u32 $0xF7A, s1;
	s8 =	simm.s32 @!p0 $0x1BF5;
	p2 =	por !p2, p0  }
0x20: {  	[sflag:s8] =	ssyncset.s32 @!p0 $0xFFFFF086;
	s6 =	sadd.s32 @!p0 s3, s7;
	s7 =	simm.s32 @!p0 $0x108  }
0x21: {  	s3 =	sadd.s32 s3, s9;
	s6 =	sadd.s32 @!p0 $0x88, s6;
	s7 =	simm.s32 @p2 $0x1082  }
0x22: {  	[simem:s7], [sflag:s8] =	dma.local @!p0 [hbm:s6], $0xF7A  }
0x23: {  	s9 =	sor.u32 $0xD0000000, s2;
	s6 =	simm.s32 $0x108;
	_ =	swait.ge @!p0 [sflag:s8], $0x0  }
0x24: {  	s3 =	sadd.s32 $0x88, s3;
	s6 =	simm.s32 @!p1 $0x1082;
	[sflag:s4] =	ssyncset.s32 $0xFFFFF086  }
0x25: {  	[simem:s6], [sflag:s4] =	dma.local [hbm:s3], $0xF7A  }
0x26: {  	[smem:$0x3F91] =	sst s1;
	(tag) =	ssettag s2;
	_ =	strace s9  }
0x27: {  	s1 =	sld [smem:$0x3FA1]  }
0x28: {  	s2 =	sld [smem:$0x3FA2]  }
0x29: {  	s4 =	sld [smem:$0x3FA4]  }
0x2a: {  	p0 =	seq.s32 s5, $0x0;
	s5 =	sld [smem:$0x3FA5]  }
0x2b: {  	s6 =	sld [smem:$0x3FA6]  }
0x2c: {  	s7 =	sld [smem:$0x3FA7]  }
0x2d: {  	s3 =	simm.s32 $0x108;
	s8 =	sld [smem:$0x3FA8]  }
0x2e: {  	s3 =	simm.s32 @!p0 $0x1082;
	s9 =	sld [smem:$0x3FA9]  }
0x2f: {  	lr =	sadd.s32 s0, s3;
	s0 =	sld [smem:$0x3FA0]  }
0x30: {  	s3 =	sld [smem:$0x3FA3]  }
0x31: {  	[smem:$0x3FAC] =	sst s10  }
0x32: {  	s10 =	sld [smem:$0x3FAA];
	_ =	sdelay $0x3  }
0x33: {  	p0 =	seq.s32 s10, $0x1;
	s10 =	sld [smem:$0x3FAC];
	_ =	sdelay $0x3  }
0x34: {  	[smem:$0x3FAC] =	sst s10  }
0x35: {  	s10 =	sld [smem:$0x3FAB];
	_ =	sdelay $0x3  }
0x36: {  	p1 =	seq.s32 s10, $0x1;
	s10 =	sld [smem:$0x3FAC];
	_ =	sdelay $0x3  }
0x37: {  	[smem:$0x3FAC] =	sst s10  }
0x38: {  	s10 =	sld [smem:$0x3FAD]  }
0x39: {  	_ = 	snop;
	(pc) =	sbr.ind lr, $3  }
0x3a: {  	_ = 	snop  }
0x3b: {  	_ = 	snop  }
0x3c: {  	p2 =	seq.s32 s10, $0x1;
	s10 =	sld [smem:$0x3FAC]  }
0x3d: {  	_ =	shalt  }
0x3e: {  	_ =	shalt  }
0x3f: {  	_ =	shalt  }
0x40: {  	_ =	shalt  }
0x41: {  	_ =	shalt  }
0x42: {  	_ =	shalt  }
0x43: {  	_ =	shalt  }
0x44: {  	_ =	shalt  }
0x45: {  	_ =	shalt  }
0x46: {  	_ =	shalt  }
0x47: {  	_ =	shalt  }
0x48: {  	_ =	shalt  }
0x49: {  	_ =	shalt  }
0x4a: {  	_ =	shalt  }
0x4b: {  	_ =	shalt  }
0x4c: {  	_ =	shalt  }
0x4d: {  	_ =	shalt  }
0x4e: {  	_ =	shalt  }
0x4f: {  	_ =	shalt  }
0x50: {  	_ =	shalt  }
0x51: {  	_ =	shalt  }
0x52: {  	_ =	shalt  }
0x53: {  	_ =	shalt  }
0x54: {  	_ =	shalt  }
0x55: {  	_ =	shalt  }
0x56: {  	_ =	shalt  }
0x57: {  	_ =	shalt  }
0x58: {  	_ =	shalt  }
0x59: {  	_ =	shalt  }
0x5a: {  	_ =	shalt  }
0x5b: {  	_ =	shalt  }
0x5c: {  	_ =	shalt  }
0x5d: {  	_ =	shalt  }
0x5e: {  	_ =	shalt  }
0x5f: {  	_ =	shalt  }
0x60: {  	_ =	shalt  }
0x61: {  	_ =	shalt  }
0x62: {  	_ =	shalt  }
0x63: {  	_ =	shalt  }
0x64: {  	_ =	shalt  }
0x65: {  	_ =	shalt  }
0x66: {  	_ =	shalt  }
0x67: {  	_ =	shalt  }
0x68: {  	_ =	shalt  }
0x69: {  	_ =	shalt  }
0x6a: {  	_ =	shalt  }
0x6b: {  	_ =	shalt  }
0x6c: {  	_ =	shalt  }
0x6d: {  	_ =	shalt  }
0x6e: {  	_ =	shalt  }
0x6f: {  	_ =	shalt  }
0x70: {  	_ =	shalt  }
0x71: {  	_ =	shalt  }
0x72: {  	_ =	shalt  }
0x73: {  	_ =	shalt  }
0x74: {  	_ =	shalt  }
0x75: {  	_ =	shalt  }
0x76: {  	_ =	shalt  }
0x77: {  	_ =	shalt  }
0x78: {  	_ =	shalt  }
0x79: {  	_ =	shalt  }
0x7a: {  	_ =	shalt  }
0x7b: {  	_ =	shalt  }
0x7c: {  	_ =	shalt  }
0x7d: {  	_ =	shalt  }
0x7e: {  	_ =	shalt  }
0x7f: {  	_ =	shalt  }
0x80: {  	_ =	shalt  }
0x81: {  	_ =	shalt  }
0x82: {  	_ =	shalt  }
0x83: {  	_ =	shalt  }
0x84: {  	_ =	shalt  }
0x85: {  	_ =	shalt  }
0x86: {  	_ =	shalt  }
0x87: {  	_ =	shalt  }
.Lfunc_end0:
.L_simem_size_0:
called_computation.2_lowered:
.L_overlay_start_0:
0x88: {  	s2 =	sld [smem:$0x3FD9]  }
0x89: {  	s3 =	sld [smem:$0x3FFE];
	_ =	sdelay $0x1  }
0x8a: {  	s1 =	srdreg.scid  }
0x8b: {  	s0 =	sand.u32 $0x1, s1  }
0x8c: {  	s17 =	sshll.u32 s0, $0xA;
	s2 =	sadd.s32 s3, s2  }
0x8d: {  	s2 =	sadd.s32 s2, s17  }
0x8e: {  	[smem:$0x3FB8] =	sst s2  }
0x8f: {  	_ = 	snop  }
0x90: {  	s2 =	sld [smem:$0x3FD0];
	(tm) =	ssettm $0x1  }
0x91: {  	s18 =	sld [smem:$0x3FFB];
	_ =	sdelay $0x3  }
0x92: {  	_ =	strace s18  }
0x93: {  	s3 =	sld [smem:$0x3FFC];
	_ =	sdelay $0x3  }
0x94: {  	_ =	strace s3  }
0x95: {  	s3 =	sld [smem:$0x3FFD];
	_ =	sdelay $0x3  }
0x96: {  	_ =	strace s3  }
0x97: {  	_ =	strace $0x8FFFFFFF  }
0x98: {  	s19 =	sld [smem:$0x3FDB];
	_ =	sdelay $0x1  }
0x99: {  	s4 =	simm.s32 $_scs_section_size  }
0x9a: {  	s5 =	simm.s32 $_size__tile_overlayer_lowered;
	s6 =	simm.s32 $_tile_overlayer_lowered  }
0x9b: {  	s22 =	simm.s32 $0x1BFF;
	s21 =	sshll.u32 s6, $0x1;
	s3 =	sadd.s32 s4, s19  }
0x9c: {  	s7 =	simm.s32 $0x0;
	s20 =	sshll.u32 s5, $0x1;
	s5 =	sadd.s32 s21, s3  }
0x9d: {  	[timem:s7], [sflag:s22] =	dma.local [hbm:s5], s20  }
0x9e: {  	_ =	swait.ge [sflag:s22], s20  }
0x9f: {  	s4 =	ssub.s32 $0x0, s20;
	[sflag:s22] =	ssyncset.done $0x0  }
0xa0: {  	[sflag:s22] =	ssyncadd.s32 s4;
	_ =	sdelay $0x1  }
0xa1: {  	s23 =	simm.s32 $0x1B8B  }
0xa2: {  	_ =	swait.ge [sflag:s23], $0x1  }
0xa3: {  	[sflag:s23] =	ssyncset.done $0x0  }
0xa4: {  	s25 =	simm.s32 $0x1B8E;
	s24 =	sld [smem:$0x3FFE];
	[sflag:s23] =	ssyncadd.s32 $0xFFFFFFFF  }
0xa5: {  	s26 =	simm.s32 $execute0_lowered;
	[smem:$0x3FD2] =	sst s25  }
0xa6: {  	s5 =	sshll.u32 s26, $0x1;
	_ =	strace $0x8000004C;
	[dreg:$0x1] =	wrdreg $0xFFFFFFFF  }
0xa7: {  	s28 =	simm.s32 $_size_execute0_lowered;
	s3 =	sadd.s32 s3, s5;
	[dreg:$0x0] =	wrdreg $0x0  }
0xa8: {  	s5 =	sshll.u32 s28, $0x1;
	[dreg:$0x2] =	wrdreg s3  }
0xa9: {  	[dreg:$0x3] =	wrdreg s5  }
0xaa: {  	[dreg:$0x4] =	wrdreg $0xC0  }
0xab: {  	_ =	task [dreg:s7], $0x5FFFF  }
0xac: {  	[dreg:$0x1] =	wrdreg $0xFFFFFFFF  }
0xad: {  	[dreg:$0x0] =	wrdreg $0x60  }
0xae: {  	[dreg:$0x2] =	wrdreg s24  }
0xaf: {  	[dreg:$0x3] =	wrdreg s2  }
0xb0: {  	[dreg:$0x4] =	wrdreg $0x41000  }
0xb1: {  	[dreg:$0x5] =	wrdreg $0x9  }
0xb2: {  	_ =	task.clear_ibuf [dreg:s7], $0x6FFFF;
	_ =	strace $0x9000004C  }
0xb3: {  	s29 =	simm.s32 $0x9;
	_ =	strace $0x8000004E  }
0xb4: {  	_ =	swait.ge [sflag:s29], $0x1  }
0xb5: {  	[sflag:s29] =	ssyncadd.s32 $0xFFFFFFFF  }
0xb6: {  	_ =	strace $0x9000004E  }
0xb7: {  	_ =	sfence  }
0xb8: {  	s30 =	sld [smem:$0x0];
	_ =	sdelay $0x2  }
0xb9: {  	s31 =	sshll.u32 s1, $0xD;
	s1 =	sshrl.u32 s1, $0x2  }
0xba: {  	s3 =	sand.u32 $0x4000, s31;
	s1 =	sadd.s32 s1, s30  }
0xbb: {  	s0 =	sor.u32 s3, s0;
	s1 =	sshll.u32 s1, $0x11  }
0xbc: {  	s0 =	sor.u32 s1, s0  }
0xbd: {  	s0 =	sadd.s32 $0x8F2B, s0  }
0xbe: {  	[sflag:s0] =	ssyncadd.remote.s32 $0x1  }
0xbf: {  	_ =	sfence.sel $0xFFFF  }
0xc0: {  	[dreg:$0x0] =	wrdreg $0xFFFFFFFF;
	(pc) =	sbr.abs _section_cstart, $3  }
0xc1: {  	[dreg:$0x1] =	wrdreg $0xFFFFFFFF  }
0xc2: {  	_ =	task.clear_ibuf [dreg:s7], $0x2FFFF;
	_ =	strace $0x9FFFFFFF  }
0xc3: {  	(tm) =	ssettm $0x7FFFFFFF  }
tec
execute0_lowered:
.L_overlay_start_1:
0x0: {  	(tag) =	ssettag $0x1  }
0x1: {  	s6 =	rddreg [dreg:$0x0]  }
0x2: {  	s2 =	rddreg [dreg:$0x1]  }
0x3: {  	s3 =	rddreg [dreg:$0x2]  }
0x4: {  	s0 =	rddreg [dreg:$0x3];
	s1 =	stileid.u32  }
0x5: {  	s5 =	srdreg.scid;
	s4 =	simm.s32 $0x0;
	s8 =	smul.u32 $0x280, s1  }
0x6: {  	s20 =	simm.s32 $0x100;
	s21 =	simm.s32 $0x1;
	s10 =	smul.u32 $0x9E0, s1  }
0x7: {  	s22 =	simm.s32 $0x80;
	s23 =	simm.s32 $0x0;
	s11 =	smul.u32 $0x50000, s1  }
0x8: {  	s7 =	sand.u32 $0x1, s5;
	[smem:$0x7FF] =	sst s4;
	s19 =	smul.u32 $0x4F00, s1  }
0x9: {  	s5 =	sadd.s32 $0x17200, s6;
	s9 =	smul.u32 $0x2800, s7;
	_ =	strace $0x8000004D  }
0xa: {  	s29 =	ssub.s32 $0x2, s7;
	s7 =	smul.u32 $0x4F000, s7;
	s18 =	sadd.s32 s10, s6  }
0xb: {  	s30 =	sshrl.u32 s29, $0x1;
	s31 =	sshrl.u32 s11, $0x2;
	s8 =	sadd.s32 s9, s8  }
0xc: {  	s9 =	ssub.s32 s29, s30;
	s18 =	sadd.s32 $0xD400, s18;
	s8 =	sshll.u32 s8, $0x4  }
0xd: {  	s9 =	smax.u32 s9, $0x1;
	s17 =	sadd.s32 s8, s6;
	s6 =	sadd.s32 s31, s3  }
0xe: {  	s8 =	sadd.s32 $0x67200, s17;
	s10 =	sadd.s32 $0x4000, s6;
	s11 =	sadd.s32 $0x8000, s6  }
0xf: {  	s12 =	sadd.s32 $0xC000, s6;
	s13 =	sadd.s32 $0x10000, s6;
	s14 =	sadd.s32 $0x67A00, s17  }
0x10: {  	v0 =	vimm.f32 $0.0e+00;
	s15 =	sadd.s32 $0x68200, s17;
	s16 =	sadd.s32 $0x68A00, s17;
	s17 =	sadd.s32 $0x69200, s17  }
.LBB2_1:
0x11: {  	s24 =	simm.s32 $0x0;
	s25 =	simm.s32 $0x200  }
.LBB2_2:
0x12: {  	p0 =	sne.s32 s25, $0xFE00;
	[tilespmem:s24+$0x170] =	vst v0  }
0x13: {  	[tilespmem:s24+$0x100] =	vst v0  }
0x14: {  	[tilespmem:s24+$0x110] =	vst v0  }
.Ltmp0:
0x15: {  	[tilespmem:s24+$0x120] =	vst v0;
	(pc) =	sbr.rel @p0 .LBB2_2-.Ltmp0, $4  }
0x16: {  	[tilespmem:s24+$0x130] =	vst v0  }
0x17: {  	[tilespmem:s24+$0x140] =	vst v0  }
0x18: {  	[tilespmem:s24+$0x150] =	vst v0  }
0x19: {  	[tilespmem:s24+$0x160] =	vst v0;
	s24 =	sshra.s32 s25, $0x2;
	s25 =	sadd.s32 $0x200, s25  }
0x1a: {  	[tilespmem:s24+$0x170] =	vst v0  }
0x1b: {  	[tilespmem:s24+$0x100] =	vst v0  }
0x1c: {  	[tilespmem:s24+$0x110] =	vst v0  }
0x1d: {  	[tilespmem:s24+$0x120] =	vst v0  }
0x1e: {  	[tilespmem:s24+$0x130] =	vst v0  }
0x1f: {  	[tilespmem:s24+$0x140] =	vst v0  }
0x20: {  	[tilespmem:s24+$0x150] =	vst v0  }
0x21: {  	[tilespmem:s24+$0x160] =	vst v0  }
0x22: {  	[spmem:s6] =	stream.linear.scatter [tilespmem:s20], [sflag:$0x1], $0x4000, $0x38;
	[tilespmem:$0x18100] =	vst v63  }
0x23: {  	_ =	swait.ge [sflag:s21], $0x4000  }
0x24: {  	[sflag:s21] =	ssyncset.done $0x0  }
0x25: {  	[sflag:s21] =	ssyncadd.s32 $0xFFFFC000  }
0x26: {  	[spmem:s10] =	stream.linear.scatter [tilespmem:s20], [sflag:$0x1], $0x4000, $0x38;
	[tilespmem:$0x18100] =	vst v63  }
0x27: {  	_ =	swait.ge [sflag:s21], $0x4000  }
0x28: {  	[sflag:s21] =	ssyncset.done $0x0  }
0x29: {  	[sflag:s21] =	ssyncadd.s32 $0xFFFFC000  }
0x2a: {  	[spmem:s11] =	stream.linear.scatter [tilespmem:s20], [sflag:$0x1], $0x4000, $0x38;
	[tilespmem:$0x18100] =	vst v63  }
0x2b: {  	_ =	swait.ge [sflag:s21], $0x4000  }
0x2c: {  	[sflag:s21] =	ssyncset.done $0x0  }
0x2d: {  	[sflag:s21] =	ssyncadd.s32 $0xFFFFC000  }
0x2e: {  	[spmem:s12] =	stream.linear.scatter [tilespmem:s20], [sflag:$0x1], $0x4000, $0x38;
	[tilespmem:$0x18100] =	vst v63  }
0x2f: {  	_ =	swait.ge [sflag:s21], $0x4000  }
0x30: {  	[sflag:s21] =	ssyncset.done $0x0  }
0x31: {  	s30 =	sand.u32 $0xFFC00, s19;
	[sflag:s21] =	ssyncadd.s32 $0xFFFFC000  }
0x32: {  	[spmem:s13] =	stream.linear.scatter [tilespmem:s20], [sflag:$0x1], $0x4000, $0x38;
	[tilespmem:$0x18100] =	vst v63  }
0x33: {  	s25 =	sand.u32 $0x380, s19;
	s24 =	sadd.s32 s7, s30;
	_ =	swait.ge [sflag:s21], $0x4000  }
0x34: {  	s24 =	sor.u32 s25, s24;
	[sflag:s21] =	ssyncset.done $0x0  }
0x35: {  	s24 =	sshrl.u32 s24, $0x3;
	[sflag:s21] =	ssyncadd.s32 $0xFFFFC000  }
0x36: {  	s24 =	sadd.s32 s2, s24;
	[bflag:$0x0] =	sbarrier.arrive $0xFFFF  }
0x37: {  	[tilespmem:s4], [sflag:$0x1] =	stream.linear.gather [hbm4b:s24+s4], $0x80, $0x38;
	[tilespmem:$0x18100] =	vst v63  }
0x38: {  	_ =	swait.ge [sflag:s21], $0x80  }
0x39: {  	[sflag:s21] =	ssyncset.done $0x0  }
0x3a: {  	s31 =	sadd.s32 $0x0, s18;
	[sflag:s21] =	ssyncadd.s32 $0xFFFFFF80  }
0x3b: {  	[tilespmem:s22], [sflag:$0x1] =	stream.linear.gather [hbm4b:s31+s4], $0x80, $0x38;
	[tilespmem:$0x18100] =	vst v63  }
0x3c: {  	_ =	swait.ge [sflag:s21], $0x80  }
0x3d: {  	[sflag:s21] =	ssyncset.done $0x0  }
0x3e: {  	[sflag:s21] =	ssyncadd.s32 $0xFFFFFF80  }
0x3f: {  	[tilespmem:s20], [sflag:$0x1] =	stream.indirect.gather [hbm4b:s5+s22], $0x80, s4, s22, $0xb8;
	[tilespmem:$0x18100] =	vst v63  }
0x40: {  	_ =	swait.ge [sflag:s21], $0x4000  }
0x41: {  	s25 =	sadd.s32 $0x80, s19;
	[sflag:s21] =	ssyncset.done $0x0  }
0x42: {  	s26 =	sand.u32 $0xFFC00, s25;
	s29 =	sand.u32 $0x380, s25;
	[sflag:s21] =	ssyncadd.s32 $0xFFFFC000  }
0x43: {  	[spmem:s3] =	stream.indirect.scatter.add.f32 [tilespmem:s20], [sflag:$0x1], $0x80, s22, s22, $0xb8;
	[tilespmem:$0x18100] =	vst v63  }
0x44: {  	s28 =	sadd.s32 s7, s26;
	s26 =	simm.s32 $0x20;
	_ =	swait.ge [sflag:s21], $0x4000  }
0x45: {  	s28 =	sor.u32 s29, s28;
	s24 =	simm.s32 $0x10;
	[sflag:s21] =	ssyncset.done $0x0  }
.LBB2_4:
0x46: {  	p0 =	sne.s32 s26, $0x9D0;
	s28 =	sshrl.u32 s28, $0x3;
	[sflag:s21] =	ssyncadd.s32 $0xFFFFC000  }
0x47: {  	s29 =	smov.u32 s26;
	s26 =	sadd.s32 $0x10, s26;
	s28 =	sadd.s32 s2, s28  }
0x48: {  	[tilespmem:s4], [sflag:$0x1] =	stream.linear.gather [hbm4b:s28+s4], $0x80, $0x38;
	[tilespmem:$0x18100] =	vst v63  }
0x49: {  	_ =	swait.ge [sflag:s21], $0x80  }
0x4a: {  	[sflag:s21] =	ssyncset.done $0x0  }
0x4b: {  	s28 =	sadd.s32 s24, s18;
	s24 =	smov.u32 s29;
	[sflag:s21] =	ssyncadd.s32 $0xFFFFFF80  }
0x4c: {  	[tilespmem:s22], [sflag:$0x1] =	stream.linear.gather [hbm4b:s28+s4], $0x80, $0x38;
	[tilespmem:$0x18100] =	vst v63  }
0x4d: {  	_ =	swait.ge [sflag:s21], $0x80  }
0x4e: {  	[sflag:s21] =	ssyncset.done $0x0  }
0x4f: {  	[sflag:s21] =	ssyncadd.s32 $0xFFFFFF80  }
0x50: {  	[tilespmem:s20], [sflag:$0x1] =	stream.indirect.gather [hbm4b:s5+s22], $0x80, s4, s22, $0xb8;
	[tilespmem:$0x18100] =	vst v63  }
0x51: {  	_ =	swait.ge [sflag:s21], $0x4000  }
.Ltmp1:
0x52: {  	s25 =	sadd.s32 $0x80, s25;
	[sflag:s21] =	ssyncset.done $0x0;
	(pc) =	sbr.rel @p0 .LBB2_4-.Ltmp1, $4  }
0x53: {  	s28 =	sand.u32 $0xFFC00, s25;
	[sflag:s21] =	ssyncadd.s32 $0xFFFFC000  }
0x54: {  	[spmem:s3] =	stream.indirect.scatter.add.f32 [tilespmem:s20], [sflag:$0x1], $0x80, s22, s22, $0xb8;
	[tilespmem:$0x18100] =	vst v63  }
0x55: {  	s29 =	sand.u32 $0x380, s25;
	s28 =	sadd.s32 s7, s28;
	_ =	swait.ge [sflag:s21], $0x4000  }
0x56: {  	s28 =	sor.u32 s29, s28;
	[sflag:s21] =	ssyncset.done $0x0  }
0x57: {  	s25 =	sshrl.u32 s28, $0x3  }
0x58: {  	[sflag:s21] =	ssyncadd.s32 $0xFFFFC000;
	s25 =	sadd.s32 s2, s25  }
0x59: {  	[tilespmem:s4], [sflag:$0x1] =	stream.linear.gather [hbm4b:s25+s4], $0x80, $0x38;
	[tilespmem:$0x18100] =	vst v63  }
0x5a: {  	_ =	swait.ge [sflag:s21], $0x80  }
0x5b: {  	[sflag:s21] =	ssyncset.done $0x0  }
0x5c: {  	s24 =	sadd.s32 s24, s18;
	[sflag:s21] =	ssyncadd.s32 $0xFFFFFF80  }
0x5d: {  	[tilespmem:s22], [sflag:$0x1] =	stream.linear.gather [hbm4b:s24+s4], $0x80, $0x38;
	[tilespmem:$0x18100] =	vst v63  }
0x5e: {  	_ =	swait.ge [sflag:s21], $0x80  }
0x5f: {  	[sflag:s21] =	ssyncset.done $0x0  }
0x60: {  	[sflag:s21] =	ssyncadd.s32 $0xFFFFFF80  }
0x61: {  	[tilespmem:s20], [sflag:$0x1] =	stream.indirect.gather [hbm4b:s5+s22], $0x80, s4, s22, $0xb8;
	[tilespmem:$0x18100] =	vst v63  }
0x62: {  	_ =	swait.ge [sflag:s21], $0x4000  }
0x63: {  	[sflag:s21] =	ssyncset.done $0x0  }
0x64: {  	[sflag:s21] =	ssyncadd.s32 $0xFFFFC000  }
0x65: {  	[spmem:s3] =	stream.indirect.scatter.add.f32 [tilespmem:s20], [sflag:$0x1], $0x80, s22, s22, $0xb8;
	[tilespmem:$0x18100] =	vst v63  }
0x66: {  	_ =	swait.ge [sflag:s21], $0x4000  }
0x67: {  	[sflag:s21] =	ssyncset.done $0x0  }
0x68: {  	s25 =	sshll.u32 s1, $0x6;
	[sflag:s21] =	ssyncadd.s32 $0xFFFFC000  }
0x69: {  	s26 =	sshrl.u32 s6, $0x3;
	s24 =	sor.u32 $0x1C01, s25;
	[bflag:$0x0] =	sbarrier.arrive $0xFFFF  }
0x6a: {  	[hbm:s8], [sflag:s24] =	dma.local [spmem:s26], $0x800  }
0x6b: {  	_ =	swait.ge [sflag:s21], $0x800  }
0x6c: {  	[sflag:s21] =	ssyncset.done $0x0  }
0x6d: {  	s28 =	sshrl.u32 s10, $0x3;
	[sflag:s21] =	ssyncadd.s32 $0xFFFFF800  }
0x6e: {  	[hbm:s14], [sflag:s24] =	dma.local [spmem:s28], $0x800  }
0x6f: {  	_ =	swait.ge [sflag:s21], $0x800  }
0x70: {  	[sflag:s21] =	ssyncset.done $0x0  }
0x71: {  	s29 =	sshrl.u32 s11, $0x3;
	[sflag:s21] =	ssyncadd.s32 $0xFFFFF800  }
0x72: {  	[hbm:s15], [sflag:s24] =	dma.local [spmem:s29], $0x800  }
0x73: {  	_ =	swait.ge [sflag:s21], $0x800  }
0x74: {  	[sflag:s21] =	ssyncset.done $0x0  }
0x75: {  	s30 =	sshrl.u32 s12, $0x3;
	[sflag:s21] =	ssyncadd.s32 $0xFFFFF800  }
0x76: {  	[hbm:s16], [sflag:s24] =	dma.local [spmem:s30], $0x800  }
0x77: {  	s23 =	sadd.s32 $0x1, s23;
	_ =	swait.ge [sflag:s21], $0x800  }
0x78: {  	p0 =	sne.s32 s23, s9;
	[sflag:s21] =	ssyncset.done $0x0  }
.Ltmp2:
0x79: {  	s31 =	sshrl.u32 s13, $0x3;
	[sflag:s21] =	ssyncadd.s32 $0xFFFFF800;
	(pc) =	sbr.rel @p0 .LBB2_1-.Ltmp2, $4  }
0x7a: {  	[hbm:s17], [sflag:s24] =	dma.local [spmem:s31], $0x800  }
0x7b: {  	_ =	swait.ge [sflag:s21], $0x800  }
0x7c: {  	[sflag:s21] =	ssyncset.done $0x0  }
0x7d: {  	[sflag:s21] =	ssyncadd.s32 $0xFFFFF800  }
0x7e: {  	_ =	sfence.sel $0x180000  }
0x7f: {  	[bflag:$0x0] =	sbarrier.arrive $0xFFFF  }
0x80: {  	p0 =	sne.s32 s1, $0x0;
	_ =	strace $0x9000004D  }
0x81: {  	s0 =	sadd.s32 @!p0 $0x100000, s0;
	[bflag:$0x2] =	sbarrier.arrive $0xFFFF  }
0x82: {  	[sflag:s0] =	ssyncadd.tile.s32 @!p0 $0x1;
	_ =	shalt  }
.Lfunc_end2:
_tile_overlayer_lowered:
.L_overlay_start_2:
0x83: {  	(tag) =	ssettag $0x2  }
0x84: {  	s0 =	rddreg [dreg:$0x0];
	s2 =	stileid.u32  }
0x85: {  	s1 =	rddreg [dreg:$0x1];
	p0 =	sne.s32 s2, $0x0  }
0x86: {  	s3 =	rddreg [dreg:$0x2];
	[bflag:$0x3] =	sbarrier.arrive $0xFFFF;
	s2 =	simm.s32 @!p0 $0x1C01  }
0x87: {  	[timem:s3], [sflag:s2] =	dma.local @!p0 [hbm:s0], s1  }
0x88: {  	s0 =	simm.s32 @!p0 $0x1  }
0x89: {  	_ =	swait.ge @!p0 [sflag:s0], s1  }
0x8a: {  	s1 =	ssub.s32 @!p0 $0x0, s1;
	[sflag:s0] =	ssyncset.done @!p0 $0x0  }
0x8b: {  	[sflag:s0] =	ssyncadd.s32 @!p0 s1  }
0x8c: {  	[bflag:$0x3] =	sbarrier.arrive $0xFFFF  }
0x8d: {  	_ =	shalt  }

// kernel: kernel.8.cloned.1.call-start
scs
__scs_entry_jumppad:
0x0: {  	(pc) =	sbr.rel $0x88, $3  }
0x1: {  	(tag) =	ssettag $0x0;
	lr =	simm.s32 $0x1  }
0x2: {  	[smem:$0x3F91] =	sst lr;
	_ =	strace $0xD0000000  }
0x3: {  	_ = 	snop  }
0x4: {  	_ = 	snop  }
0x5: {  	_ = 	snop  }
0x6: {  	_ = 	snop  }
0x7: {  	_ = 	snop  }
__scs_overlays_trampoline_lowered:
0x8: {  	[smem:$0x3FA0] =	sst s0  }
0x9: {  	[smem:$0x3FA1] =	sst s1  }
0xa: {  	[smem:$0x3FA2] =	sst s2  }
0xb: {  	[smem:$0x3FA3] =	sst s3  }
0xc: {  	[smem:$0x3FA4] =	sst s4  }
0xd: {  	[smem:$0x3FA5] =	sst s5  }
0xe: {  	[smem:$0x3FA6] =	sst s6  }
0xf: {  	[smem:$0x3FA7] =	sst s7  }
0x10: {  	[smem:$0x3FA8] =	sst s8  }
0x11: {  	[smem:$0x3FA9] =	sst s9;
	s0 =	simm.s32 @!p0 $0x0  }
0x12: {  	s1 =	sld [smem:$0x3F8F];
	s0 =	simm.s32 @p0 $0x1  }
0x13: {  	[smem:$0x3FAA] =	sst s0;
	s0 =	simm.s32 @!p1 $0x0  }
0x14: {  	s2 =	sld [smem:$0x3F8E];
	s0 =	simm.s32 @p1 $0x1  }
0x15: {  	[smem:$0x3FAB] =	sst s0;
	s0 =	simm.s32 @!p2 $0x0  }
0x16: {  	s3 =	sld [smem:$0x3FDB];
	s0 =	simm.s32 @p2 $0x1  }
0x17: {  	s4 =	simm.s32 $0x1BF5;
	[smem:$0x3FAD] =	sst s0  }
0x18: {  	s0 =	sld [smem:$0x3F90];
	_ =	swait.ge [sflag:s4], $0x0  }
0x19: {  	s7 =	sld [smem:$0x3F91]  }
0x1a: {  	s8 =	sadd.s32 $0xFFFFE003, lr  }
0x1b: {  	s9 =	sadd.s32 $0xFFFFFEF7, lr;
	s5 =	simm.s32 $0xFFFFFFFF;
	p2 =	slt.u32 s8, $0xFFFFF086  }
0x1c: {  	p1 =	slt.u32 s9, $0xF7A;
	s5 =	simm.s32 @!p2 $0x0  }
0x1d: {  	s5 =	simm.s32 @p1 $0x1;
	p0 =	seq.s32 s7, s2  }
0x1e: {  	s7 =	smul.u32 @!p0 $0xF7A, s2;
	p2 =	seq.s32 @!p0 s5, $0x0  }
0x1f: {  	s9 =	smul.u32 $0xF7A, s1;
	s8 =	simm.s32 @!p0 $0x1BF5;
	p2 =	por !p2, p0  }
0x20: {  	[sflag:s8] =	ssyncset.s32 @!p0 $0xFFFFF086;
	s6 =	sadd.s32 @!p0 s3, s7;
	s7 =	simm.s32 @!p0 $0x108  }
0x21: {  	s3 =	sadd.s32 s3, s9;
	s6 =	sadd.s32 @!p0 $0x88, s6;
	s7 =	simm.s32 @p2 $0x1082  }
0x22: {  	[simem:s7], [sflag:s8] =	dma.local @!p0 [hbm:s6], $0xF7A  }
0x23: {  	s9 =	sor.u32 $0xD0000000, s2;
	s6 =	simm.s32 $0x108;
	_ =	swait.ge @!p0 [sflag:s8], $0x0  }
0x24: {  	s3 =	sadd.s32 $0x88, s3;
	s6 =	simm.s32 @!p1 $0x1082;
	[sflag:s4] =	ssyncset.s32 $0xFFFFF086  }
0x25: {  	[simem:s6], [sflag:s4] =	dma.local [hbm:s3], $0xF7A  }
0x26: {  	[smem:$0x3F91] =	sst s1;
	(tag) =	ssettag s2;
	_ =	strace s9  }
0x27: {  	s1 =	sld [smem:$0x3FA1]  }
0x28: {  	s2 =	sld [smem:$0x3FA2]  }
0x29: {  	s4 =	sld [smem:$0x3FA4]  }
0x2a: {  	p0 =	seq.s32 s5, $0x0;
	s5 =	sld [smem:$0x3FA5]  }
0x2b: {  	s6 =	sld [smem:$0x3FA6]  }
0x2c: {  	s7 =	sld [smem:$0x3FA7]  }
0x2d: {  	s3 =	simm.s32 $0x108;
	s8 =	sld [smem:$0x3FA8]  }
0x2e: {  	s3 =	simm.s32 @!p0 $0x1082;
	s9 =	sld [smem:$0x3FA9]  }
0x2f: {  	lr =	sadd.s32 s0, s3;
	s0 =	sld [smem:$0x3FA0]  }
0x30: {  	s3 =	sld [smem:$0x3FA3]  }
0x31: {  	[smem:$0x3FAC] =	sst s10  }
0x32: {  	s10 =	sld [smem:$0x3FAA];
	_ =	sdelay $0x3  }
0x33: {  	p0 =	seq.s32 s10, $0x1;
	s10 =	sld [smem:$0x3FAC];
	_ =	sdelay $0x3  }
0x34: {  	[smem:$0x3FAC] =	sst s10  }
0x35: {  	s10 =	sld [smem:$0x3FAB];
	_ =	sdelay $0x3  }
0x36: {  	p1 =	seq.s32 s10, $0x1;
	s10 =	sld [smem:$0x3FAC];
	_ =	sdelay $0x3  }
0x37: {  	[smem:$0x3FAC] =	sst s10  }
0x38: {  	s10 =	sld [smem:$0x3FAD]  }
0x39: {  	_ = 	snop;
	(pc) =	sbr.ind lr, $3  }
0x3a: {  	_ = 	snop  }
0x3b: {  	_ = 	snop  }
0x3c: {  	p2 =	seq.s32 s10, $0x1;
	s10 =	sld [smem:$0x3FAC]  }
0x3d: {  	_ =	shalt  }
0x3e: {  	_ =	shalt  }
0x3f: {  	_ =	shalt  }
0x40: {  	_ =	shalt  }
0x41: {  	_ =	shalt  }
0x42: {  	_ =	shalt  }
0x43: {  	_ =	shalt  }
0x44: {  	_ =	shalt  }
0x45: {  	_ =	shalt  }
0x46: {  	_ =	shalt  }
0x47: {  	_ =	shalt  }
0x48: {  	_ =	shalt  }
0x49: {  	_ =	shalt  }
0x4a: {  	_ =	shalt  }
0x4b: {  	_ =	shalt  }
0x4c: {  	_ =	shalt  }
0x4d: {  	_ =	shalt  }
0x4e: {  	_ =	shalt  }
0x4f: {  	_ =	shalt  }
0x50: {  	_ =	shalt  }
0x51: {  	_ =	shalt  }
0x52: {  	_ =	shalt  }
0x53: {  	_ =	shalt  }
0x54: {  	_ =	shalt  }
0x55: {  	_ =	shalt  }
0x56: {  	_ =	shalt  }
0x57: {  	_ =	shalt  }
0x58: {  	_ =	shalt  }
0x59: {  	_ =	shalt  }
0x5a: {  	_ =	shalt  }
0x5b: {  	_ =	shalt  }
0x5c: {  	_ =	shalt  }
0x5d: {  	_ =	shalt  }
0x5e: {  	_ =	shalt  }
0x5f: {  	_ =	shalt  }
0x60: {  	_ =	shalt  }
0x61: {  	_ =	shalt  }
0x62: {  	_ =	shalt  }
0x63: {  	_ =	shalt  }
0x64: {  	_ =	shalt  }
0x65: {  	_ =	shalt  }
0x66: {  	_ =	shalt  }
0x67: {  	_ =	shalt  }
0x68: {  	_ =	shalt  }
0x69: {  	_ =	shalt  }
0x6a: {  	_ =	shalt  }
0x6b: {  	_ =	shalt  }
0x6c: {  	_ =	shalt  }
0x6d: {  	_ =	shalt  }
0x6e: {  	_ =	shalt  }
0x6f: {  	_ =	shalt  }
0x70: {  	_ =	shalt  }
0x71: {  	_ =	shalt  }
0x72: {  	_ =	shalt  }
0x73: {  	_ =	shalt  }
0x74: {  	_ =	shalt  }
0x75: {  	_ =	shalt  }
0x76: {  	_ =	shalt  }
0x77: {  	_ =	shalt  }
0x78: {  	_ =	shalt  }
0x79: {  	_ =	shalt  }
0x7a: {  	_ =	shalt  }
0x7b: {  	_ =	shalt  }
0x7c: {  	_ =	shalt  }
0x7d: {  	_ =	shalt  }
0x7e: {  	_ =	shalt  }
0x7f: {  	_ =	shalt  }
0x80: {  	_ =	shalt  }
0x81: {  	_ =	shalt  }
0x82: {  	_ =	shalt  }
0x83: {  	_ =	shalt  }
0x84: {  	_ =	shalt  }
0x85: {  	_ =	shalt  }
0x86: {  	_ =	shalt  }
0x87: {  	_ =	shalt  }
.Lfunc_end0:
.L_simem_size_0:
called_computation_lowered:
.L_overlay_start_0:
0x88: {  	s2 =	sld [smem:$0x3FD9]  }
0x89: {  	s3 =	sld [smem:$0x3FFE];
	_ =	sdelay $0x1  }
0x8a: {  	s1 =	srdreg.scid  }
0x8b: {  	s0 =	sand.u32 $0x1, s1  }
0x8c: {  	s16 =	sshll.u32 s0, $0xA;
	s2 =	sadd.s32 s3, s2  }
0x8d: {  	s2 =	sadd.s32 s2, s16  }
0x8e: {  	[smem:$0x3FB8] =	sst s2  }
0x8f: {  	_ = 	snop  }
0x90: {  	(tm) =	ssettm $0x1  }
0x91: {  	s17 =	sld [smem:$0x3FFB];
	_ =	sdelay $0x3  }
0x92: {  	_ =	strace s17  }
0x93: {  	s2 =	sld [smem:$0x3FFC];
	_ =	sdelay $0x3  }
0x94: {  	_ =	strace s2  }
0x95: {  	s2 =	sld [smem:$0x3FFD];
	_ =	sdelay $0x3  }
0x96: {  	_ =	strace s2  }
0x97: {  	_ =	strace $0x8FFFFFFF  }
0x98: {  	s18 =	sld [smem:$0x3FDB];
	_ =	sdelay $0x1  }
0x99: {  	s19 =	simm.s32 $_scs_section_size  }
0x9a: {  	s4 =	simm.s32 $_size__tile_overlayer_lowered;
	s5 =	simm.s32 $_tile_overlayer_lowered  }
0x9b: {  	s22 =	simm.s32 $0x1BFF;
	s21 =	sshll.u32 s5, $0x1;
	s2 =	sadd.s32 s19, s18  }
0x9c: {  	s6 =	simm.s32 $0x0;
	s20 =	sshll.u32 s4, $0x1;
	s4 =	sadd.s32 s21, s2  }
0x9d: {  	[timem:s6], [sflag:s22] =	dma.local [hbm:s4], s20  }
0x9e: {  	_ =	swait.ge [sflag:s22], s20  }
0x9f: {  	s3 =	ssub.s32 $0x0, s20;
	[sflag:s22] =	ssyncset.done $0x0  }
0xa0: {  	[sflag:s22] =	ssyncadd.s32 s3;
	_ =	sdelay $0x1  }
0xa1: {  	s23 =	simm.s32 $0x1B8B  }
0xa2: {  	_ =	swait.ge [sflag:s23], $0x1  }
0xa3: {  	[sflag:s23] =	ssyncset.done $0x0  }
0xa4: {  	s25 =	simm.s32 $0x1B8E;
	s24 =	sld [smem:$0x3FFE];
	[sflag:s23] =	ssyncadd.s32 $0xFFFFFFFF  }
0xa5: {  	s26 =	simm.s32 $execute0_lowered;
	[smem:$0x3FD2] =	sst s25  }
0xa6: {  	s4 =	sshll.u32 s26, $0x1;
	_ =	strace $0x80000046;
	[dreg:$0x1] =	wrdreg $0xFFFFFFFF  }
0xa7: {  	s28 =	simm.s32 $_size_execute0_lowered;
	s2 =	sadd.s32 s2, s4;
	[dreg:$0x0] =	wrdreg $0x0  }
0xa8: {  	s4 =	sshll.u32 s28, $0x1;
	[dreg:$0x2] =	wrdreg s2  }
0xa9: {  	[dreg:$0x3] =	wrdreg s4  }
0xaa: {  	[dreg:$0x4] =	wrdreg $0xC0  }
0xab: {  	_ =	task [dreg:s6], $0x5FFFF  }
0xac: {  	[dreg:$0x1] =	wrdreg $0xFFFFFFFF  }
0xad: {  	[dreg:$0x0] =	wrdreg $0x60  }
0xae: {  	[dreg:$0x2] =	wrdreg s24  }
0xaf: {  	[dreg:$0x3] =	wrdreg $0xA7800  }
0xb0: {  	[dreg:$0x4] =	wrdreg $0x9  }
0xb1: {  	_ =	task.clear_ibuf [dreg:s6], $0x5FFFF;
	_ =	strace $0x90000046  }
0xb2: {  	s29 =	simm.s32 $0x9;
	_ =	strace $0x80000048  }
0xb3: {  	_ =	swait.ge [sflag:s29], $0x1  }
0xb4: {  	[sflag:s29] =	ssyncadd.s32 $0xFFFFFFFF  }
0xb5: {  	_ =	strace $0x90000048  }
0xb6: {  	_ =	sfence  }
0xb7: {  	s30 =	sld [smem:$0x0];
	_ =	sdelay $0x2  }
0xb8: {  	s31 =	sshll.u32 s1, $0xD;
	s1 =	sshrl.u32 s1, $0x2  }
0xb9: {  	s3 =	sand.u32 $0x4000, s31;
	s1 =	sadd.s32 s1, s30  }
0xba: {  	s0 =	sor.u32 s3, s0;
	s1 =	sshll.u32 s1, $0x11  }
0xbb: {  	s0 =	sor.u32 s1, s0  }
0xbc: {  	s0 =	sadd.s32 $0x8F2B, s0  }
0xbd: {  	[sflag:s0] =	ssyncadd.remote.s32 $0x1  }
0xbe: {  	_ =	sfence.sel $0xFFFF  }
0xbf: {  	[dreg:$0x0] =	wrdreg $0xFFFFFFFF;
	(pc) =	sbr.abs _section_cstart, $3  }
0xc0: {  	[dreg:$0x1] =	wrdreg $0xFFFFFFFF  }
0xc1: {  	_ =	task.clear_ibuf [dreg:s6], $0x2FFFF;
	_ =	strace $0x9FFFFFFF  }
0xc2: {  	(tm) =	ssettm $0x7FFFFFFF  }
0xc3: {  	_ =	shalt  }
tec
execute0_lowered:
.L_overlay_start_1:
0x0: {  	(tag) =	ssettag $0x1  }
0x1: {  	s5 =	rddreg [dreg:$0x0]  }
0x2: {  	s0 =	srdreg.scid;
	s2 =	rddreg [dreg:$0x1]  }
0x3: {  	s3 =	simm.s32 $0x0;
	s12 =	simm.s32 $0x4000;
	s13 =	simm.s32 $0x1  }
0x4: {  	s14 =	simm.s32 $0x8000;
	s15 =	simm.s32 $0x80;
	s4 =	sand.u32 $0x1, s0  }
0x5: {  	s18 =	simm.s32 $0x0;
	s0 =	stileid.u32;
	s7 =	smul.u32 $0x140000, s4  }
0x6: {  	[smem:$0x7FF] =	sst s3;
	s1 =	sshll.u32 s4, $0x4;
	s8 =	smul.u32 $0x14000, s0  }
0x7: {  	s9 =	smul.u32 $0x50000, s0;
	s4 =	ssub.s32 $0x2, s4;
	s16 =	sshll.u32 s0, $0x6  }
0x8: {  	s1 =	sor.u32 s0, s1;
	s31 =	sshrl.u32 s4, $0x1;
	s16 =	sor.u32 $0x1C01, s16  }
0x9: {  	s6 =	smul.u32 $0x4F0, s1;
	s1 =	rddreg [dreg:$0x2];
	_ =	strace $0x80000047  }
0xa: {  	s7 =	sadd.s32 s8, s7;
	s9 =	sshrl.u32 s9, $0x2;
	s8 =	ssub.s32 s4, s31  }
0xb: {  	s7 =	sshrl.u32 s7, $0x3;
	s4 =	sadd.s32 s9, s2;
	s6 =	sadd.s32 s6, s5  }
0xc: {  	s7 =	sadd.s32 s7, s5;
	s9 =	sadd.s32 $0x8000, s4;
	s10 =	sadd.s32 $0xC000, s4  }
0xd: {  	s11 =	sadd.s32 $0x10000, s4;
	s17 =	sshrl.u32 s4, $0x3;
	s5 =	sadd.s32 $0x3600, s6  }
0xe: {  	v0 =	vimm.f32 $1.000000000e+00;
	v1 =	vimm.f32 $0.0e+00;
	s6 =	sadd.s32 $0x17200, s7;
	s7 =	smax.u32 s8, $0x1;
	s8 =	sadd.s32 $0x4000, s4  }
.LBB2_1:
0xf: {  	s19 =	simm.s32 $0x200;
	s20 =	simm.s32 $0x0  }
.LBB2_2:
0x10: {  	p0 =	sne.s32 s19, $0xFE00;
	[tilespmem:s20+$0x0] =	vst v0;
	s21 =	smov.u32 s19;
	s19 =	sadd.s32 $0x200, s19  }
.Ltmp0:
0x11: {  	[tilespmem:s20+$0x4000] =	vst v1;
	(pc) =	sbr.rel @p0 .LBB2_2-.Ltmp0, $2  }
0x12: {  	_ =	sdelay $0x2  }
0x13: {  	s20 =	sshra.s32 s21, $0x2  }
0x14: {  	[tilespmem:s20+$0x0] =	vst v0  }
0x15: {  	[tilespmem:s20+$0x4000] =	vst v1  }
0x16: {  	[spmem:s4] =	stream.linear.scatter [tilespmem:s12], [sflag:$0x1], $0x4000, $0x38;
	[tilespmem:$0xCF80] =	vst v63  }
0x17: {  	_ =	swait.ge [sflag:s13], $0x4000  }
0x18: {  	[sflag:s13] =	ssyncset.done $0x0  }
0x19: {  	[sflag:s13] =	ssyncadd.s32 $0xFFFFC000  }
0x1a: {  	[spmem:s8] =	stream.linear.scatter [tilespmem:s12], [sflag:$0x1], $0x4000, $0x38;
	[tilespmem:$0xCF80] =	vst v63  }
0x1b: {  	_ =	swait.ge [sflag:s13], $0x4000  }
0x1c: {  	[sflag:s13] =	ssyncset.done $0x0  }
0x1d: {  	[sflag:s13] =	ssyncadd.s32 $0xFFFFC000  }
0x1e: {  	[spmem:s9] =	stream.linear.scatter [tilespmem:s12], [sflag:$0x1], $0x4000, $0x38;
	[tilespmem:$0xCF80] =	vst v63  }
0x1f: {  	_ =	swait.ge [sflag:s13], $0x4000  }
0x20: {  	[sflag:s13] =	ssyncset.done $0x0  }
0x21: {  	[sflag:s13] =	ssyncadd.s32 $0xFFFFC000  }
0x22: {  	[spmem:s10] =	stream.linear.scatter [tilespmem:s12], [sflag:$0x1], $0x4000, $0x38;
	[tilespmem:$0xCF80] =	vst v63  }
0x23: {  	_ =	swait.ge [sflag:s13], $0x4000  }
0x24: {  	[sflag:s13] =	ssyncset.done $0x0  }
0x25: {  	[sflag:s13] =	ssyncadd.s32 $0xFFFFC000  }
0x26: {  	[spmem:s11] =	stream.linear.scatter [tilespmem:s12], [sflag:$0x1], $0x4000, $0x38;
	[tilespmem:$0xCF80] =	vst v63  }
0x27: {  	_ =	swait.ge [sflag:s13], $0x4000  }
0x28: {  	[sflag:s13] =	ssyncset.done $0x0  }
0x29: {  	s19 =	simm.s32 $0x0;
	[sflag:s13] =	ssyncadd.s32 $0xFFFFC000  }
0x2a: {  	[tilespmem:s14], [sflag:$0x1] =	stream.linear.gather [hbm4b:s5+s19], $0x2780, $0x38;
	[tilespmem:$0xCF80] =	vst v63  }
0x2b: {  	_ =	swait.ge [sflag:s13], $0x2780  }
0x2c: {  	[sflag:s13] =	ssyncset.done $0x0  }
0x2d: {  	[sflag:s13] =	ssyncadd.s32 $0xFFFFD880  }
0x2e: {  	s31 =	simm.s32 $0x8000;
	[bflag:$0x0] =	sbarrier.arrive $0xFFFF  }
0x2f: {  	[spmem:s2] =	stream.indirect.scatter.add.f32 [tilespmem:s3], [sflag:$0x1], $0x10, s31, s15, $0xb8;
	[tilespmem:$0xCF80] =	vst v63  }
0x30: {  	s19 =	simm.s32 $0x200;
	_ =	swait.ge [sflag:s13], $0x800  }
.LBB2_4:
0x31: {  	s20 =	sshra.s32 s19, $0x2;
	[sflag:s13] =	ssyncset.done $0x0;
	p0 =	sne.s32 s19, $0x9C00  }
.Ltmp1:
0x32: {  	s20 =	sadd.s32 $0x8000, s20;
	[sflag:s13] =	ssyncadd.s32 $0xFFFFF800;
	(pc) =	sbr.rel @p0 .LBB2_4-.Ltmp1, $3  }
0x33: {  	[spmem:s2] =	stream.indirect.scatter.add.f32 [tilespmem:s3], [sflag:$0x1], $0x10, s20, s15, $0xb8;
	[tilespmem:$0xCF80] =	vst v63  }
0x34: {  	s19 =	sadd.s32 $0x200, s19;
	_ =	sdelay $0x1  }
0x35: {  	_ =	swait.ge [sflag:s13], $0x800  }
0x36: {  	[sflag:s13] =	ssyncset.done $0x0;
	s18 =	sadd.s32 $0x1, s18  }
0x37: {  	[sflag:s13] =	ssyncadd.s32 $0xFFFFF800;
	p0 =	sne.s32 s18, s7  }
.Ltmp2:
0x38: {  	[bflag:$0x0] =	sbarrier.arrive $0xFFFF;
	(pc) =	sbr.rel @p0 .LBB2_1-.Ltmp2, $4  }
0x39: {  	[hbm:s6], [sflag:s16] =	dma.local [spmem:s17], $0x2800  }
0x3a: {  	_ =	swait.ge [sflag:s13], $0x2800  }
0x3b: {  	[sflag:s13] =	ssyncset.done $0x0  }
0x3c: {  	[sflag:s13] =	ssyncadd.s32 $0xFFFFD800  }
0x3d: {  	_ =	sfence.sel $0x180000  }
0x3e: {  	[bflag:$0x0] =	sbarrier.arrive $0xFFFF  }
0x3f: {  	p0 =	sne.s32 s0, $0x0;
	_ =	strace $0x90000047  }
0x40: {  	s0 =	sadd.s32 @!p0 $0x100000, s1;
	[bflag:$0x2] =	sbarrier.arrive $0xFFFF  }
0x41: {  	[sflag:s0] =	ssyncadd.tile.s32 @!p0 $0x1;
	_ =	shalt  }
.Lfunc_end2:
_tile_overlayer_lowered:
.L_overlay_start_2:
0x42: {  	(tag) =	ssettag $0x2  }
0x43: {  	s0 =	rddreg [dreg:$0x0];
	s2 =	stileid.u32  }
0x44: {  	s1 =	rddreg [dreg:$0x1];
	p0 =	sne.s32 s2, $0x0  }
0x45: {  	s3 =	rddreg [dreg:$0x2];
	[bflag:$0x3] =	sbarrier.arrive $0xFFFF;
	s2 =	simm.s32 @!p0 $0x1C01  }
0x46: {  	[timem:s3], [sflag:s2] =	dma.local @!p0 [hbm:s0], s1  }
0x47: {  	s0 =	simm.s32 @!p0 $0x1  }
0x48: {  	_ =	swait.ge @!p0 [sflag:s0], s1  }
0x49: {  	s1 =	ssub.s32 @!p0 $0x0, s1;
	[sflag:s0] =	ssyncset.done @!p0 $0x0  }
0x4a: {  	[sflag:s0] =	ssyncadd.s32 @!p0 s1  }
0x4b: {  	[bflag:$0x3] =	sbarrier.arrive $0xFFFF  }
0x4c: {  	_ =	shalt  }

</sc_bundles>
